<compile_context>
chip_gen: v7x
topology: tpu7x:2x2x1
jax: 0.10.2.dev20260603
libtpu: 0.0.44.dev20260713+nightly
codegen_flags: <defaults>
</compile_context>

<pallas_src>
import functools

import jax
import jax.numpy as jnp
from jax import lax
from jax.experimental import pallas as pl
from jax.experimental.pallas import tpu as pltpu
from jax.experimental.pallas import tpu_sc as plsc

B, T = 16384, 50
DIM = 32
NUM_TOKENS = B * T
NC, NS = 2, 16
NW = NC * NS
PER_W = NUM_TOKENS // NW
CHUNK = 128
CHUNKS = PER_W // CHUNK
K = 10
ROWS_G = K * CHUNK
G = CHUNKS // K
G2 = G // 2

_mesh = plsc.VectorSubcoreMesh(core_axis_name="c", subcore_axis_name="s")


@functools.partial(
    pl.kernel,
    mesh=_mesh,
    out_type=jax.ShapeDtypeStruct((NUM_TOKENS, DIM), jnp.float32),
    scratch_types=[
        pltpu.VMEM((CHUNKS, CHUNK), jnp.int32),
        pltpu.VMEM((ROWS_G, DIM), jnp.float32),
        pltpu.VMEM((ROWS_G, DIM), jnp.float32),
        pltpu.SemaphoreType.DMA,
        pltpu.SemaphoreType.DMA,
    ],
    compiler_params=pltpu.CompilerParams(use_tc_tiling_on_sc=False),
)
def _embed(tok_hbm, table_hbm, out_hbm, idx_v, rows0, rows1, gsem, ssem):
    wid = lax.axis_index("s") * NC + lax.axis_index("c")
    pltpu.sync_copy(tok_hbm.at[pl.ds(wid * CHUNKS, CHUNKS)], idx_v)
    base = wid * PER_W

    def fire_gathers(g, rows_v):
        handles = []
        for j in range(K):
            handles.append(pltpu.async_copy(
                table_hbm.at[idx_v.at[g * K + j]],
                rows_v.at[pl.ds(j * CHUNK, CHUNK)],
                gsem))
        for h in handles:
            h.wait()

    def body(p, carry):
        a = 2 * p
        b = a + 1
        fire_gathers(a, rows0)
        sc_a = pltpu.async_copy(
            rows0, out_hbm.at[pl.ds(base + a * ROWS_G, ROWS_G)], ssem)
        fire_gathers(b, rows1)
        sc_b = pltpu.async_copy(
            rows1, out_hbm.at[pl.ds(base + b * ROWS_G, ROWS_G)], ssem)
        sc_a.wait()
        sc_b.wait()
        return carry

    lax.fori_loop(0, G2, body, 0)


def kernel(token_ids, weight):
    tok = token_ids.reshape(NUM_TOKENS // CHUNK, CHUNK).astype(jnp.int32)
    out = _embed(tok, weight)
    return out.reshape(B, T, DIM)

# --- scband reference (transcript-rebuilt; emitter-appended) ---
"""Pipeline reference for scband-embedding-86053964743027 (READ-ONLY COPY).

The authoritative reference and input builder live on the scoring server;
editing this copy changes nothing except your own understanding.
"""

import jax, jax.numpy as jnp
import numpy as np

NUM_EMBEDDINGS = 1000000
EMBEDDING_DIM = 32

def setup_inputs(seed: int = 0) -> dict:
    key = jax.random.key(seed)
    k_idx, k_w = jax.random.split(key)
    token_ids = jax.random.randint(k_idx, (16384, 50), 0, NUM_EMBEDDINGS, dtype=jnp.int64 if jax.config.jax_enable_x64 else jnp.int32)
    std = np.sqrt(2.0 / (NUM_EMBEDDINGS + EMBEDDING_DIM))
    # truncated normal in [-3*std, 3*std]
    weight = jax.random.truncated_normal(k_w, -3.0, 3.0, (NUM_EMBEDDINGS, EMBEDDING_DIM), dtype=jnp.float32) * std
    return {"token_ids": token_ids, "weight": weight}

def reference(token_ids, weight):
    # Faithful translation of: return self.weight[token_ids]
    return jnp.take(weight, token_ids, axis=0)

if __name__ == "__main__":
    import jax
    _d = setup_inputs()
    print(jax.jit(kernel)(*tuple(_d.values())))

</pallas_src>

<mosaic_0001>
#map = affine_map<(d0, d1) -> (0, 0)>
module attributes {stable_mosaic.version = 14 : i64} {
  func.func @_embed(%arg0: i32, %arg1: i32, %arg2: memref<6400x128xi32, #tpu.memory_space<hbm>>, %arg3: memref<1000000x32xf32, #tpu.memory_space<hbm>>, %arg4: memref<819200x32xf32, #tpu.memory_space<hbm>>, %arg5: memref<200x128xi32, #tpu.memory_space<vmem>>, %arg6: memref<1280x32xf32, #tpu.memory_space<vmem>>, %arg7: memref<1280x32xf32, #tpu.memory_space<vmem>>, %arg8: memref<!tpu.dma_semaphore, #tpu.memory_space<semaphore_mem>>, %arg9: memref<!tpu.dma_semaphore, #tpu.memory_space<semaphore_mem>>) attributes {dimension_semantics = [#tpu.dimension_semantics<core_parallel>, #tpu.dimension_semantics<subcore_parallel>], iteration_bounds = array<i64: 2, 16>, scalar_prefetch = 0 : i64, scratch_operands = 5 : i64, tpu.core_type = #tpu.core_type<sc_vector_subcore>, window_params = [{transform_indices = #map}, {transform_indices = #map}, {transform_indices = #map}]} {
    %mul3A = arith.constant 2 : i32
    %mul3A_0 = arith.muli %arg1, %mul3A : i32
    %add3A = arith.addi %mul3A_0, %arg0 : i32
    %mul3A_1 = arith.constant 200 : i32
    %mul3A_2 = arith.muli %add3A, %mul3A_1 : i32
    "tpu.region"() ({
      %run_scoped3A = tpu.sem_alloc : memref<!tpu.dma_semaphore, #tpu.memory_space<semaphore_mem>>
      %dma_start3A = arith.constant 0 : i32
      %dma_start3A_10 = tpu.memref_slice %arg2[%mul3A_2, %dma_start3A] : memref<6400x128xi32, #tpu.memory_space<hbm>> -> memref<200x128xi32, #tpu.memory_space<hbm>>
      %dma_start3A_11 = arith.constant 0 : i32
      %dma_start3A_12 = tpu.memref_slice %arg2[%mul3A_2, %dma_start3A_11] : memref<6400x128xi32, #tpu.memory_space<hbm>> -> memref<200x128xi32, #tpu.memory_space<hbm>>
      tpu.enqueue_dma source(%dma_start3A_12 : memref<200x128xi32, #tpu.memory_space<hbm>>) target(%arg5 : memref<200x128xi32, #tpu.memory_space<vmem>>) target_semaphore(%run_scoped3A : memref<!tpu.dma_semaphore, #tpu.memory_space<semaphore_mem>>)
      %dma_wait3A = arith.constant 0 : i32
      %dma_wait3A_13 = tpu.memref_slice %arg2[%mul3A_2, %dma_wait3A] : memref<6400x128xi32, #tpu.memory_space<hbm>> -> memref<200x128xi32, #tpu.memory_space<hbm>>
      %dma_wait3A_14 = arith.constant 0 : i32
      %dma_wait3A_15 = tpu.memref_slice %arg2[%mul3A_2, %dma_wait3A_14] : memref<6400x128xi32, #tpu.memory_space<hbm>> -> memref<200x128xi32, #tpu.memory_space<hbm>>
      tpu.wait_dma2 semaphore(%run_scoped3A : memref<!tpu.dma_semaphore, #tpu.memory_space<semaphore_mem>>) src(%dma_wait3A_15 : memref<200x128xi32, #tpu.memory_space<hbm>>) dst(%arg5 : memref<200x128xi32, #tpu.memory_space<vmem>>)
      tpu.yield
    }) : () -> ()
    %mul3A_3 = arith.constant 25600 : i32
    %mul3A_4 = arith.muli %add3A, %mul3A_3 : i32
    %scan3A = arith.constant 0 : i32
    %scan3A_5 = arith.constant 0 : i32
    %scan3A_6 = arith.constant 10 : i32
    %scan3A_7 = arith.addi %scan3A_5, %scan3A_6 : i32
    %scan3A_8 = arith.constant 1 : i32
    scf.for %scan3A_10 = %scan3A_5 to %scan3A_7 step %scan3A_8  : i32 {
      %mul3A_11 = arith.constant 2 : i32
      %mul3A_12 = arith.muli %mul3A_11, %scan3A_10 : i32
      %add3A_13 = arith.constant 1 : i32
      %add3A_14 = arith.addi %mul3A_12, %add3A_13 : i32
      %mul3A_15 = arith.constant 10 : i32
      %mul3A_16 = arith.muli %mul3A_12, %mul3A_15 : i32
      %add3A_17 = arith.constant 0 : i32
      %add3A_18 = arith.addi %mul3A_16, %add3A_17 : i32
      %dma_start3A = arith.constant 0 : i32
      %dma_start3A_19 = arith.constant 0 : i32
      %dma_start3A_20 = tpu.memref_slice %arg6[%dma_start3A, %dma_start3A_19] : memref<1280x32xf32, #tpu.memory_space<vmem>> -> memref<128x32xf32, #tpu.memory_space<vmem>>
      %dma_start3A_21 = arith.constant 0 : i32
      %dma_start3A_22 = tpu.memref_slice %arg5[%add3A_18, %dma_start3A_21] : memref<200x128xi32, #tpu.memory_space<vmem>> -> memref<1x128xi32, #tpu.memory_space<vmem>>
      %dma_start3A_23 = tpu.memref_squeeze %dma_start3A_22 : memref<1x128xi32, #tpu.memory_space<vmem>> -> memref<128xi32, #tpu.memory_space<vmem>>
      %dma_start3A_24 = arith.constant 0 : i32
      %dma_start3A_25 = arith.constant 0 : i32
      %dma_start3A_26 = tpu.memref_slice %arg3[%dma_start3A_24, %dma_start3A_25] : memref<1000000x32xf32, #tpu.memory_space<hbm>> -> memref<1000000x32xf32, #tpu.memory_space<hbm>>
      tpu.enqueue_indirect_dma source(%dma_start3A_26 : memref<1000000x32xf32, #tpu.memory_space<hbm>>) target(%dma_start3A_20 : memref<128x32xf32, #tpu.memory_space<vmem>>) offsets(%dma_start3A_23 : memref<128xi32, #tpu.memory_space<vmem>>) semaphore(%arg8 : memref<!tpu.dma_semaphore, #tpu.memory_space<semaphore_mem>>)
      %mul3A_27 = arith.constant 10 : i32
      %mul3A_28 = arith.muli %mul3A_12, %mul3A_27 : i32
      %add3A_29 = arith.constant 1 : i32
      %add3A_30 = arith.addi %mul3A_28, %add3A_29 : i32
      %dma_start3A_31 = arith.constant 128 : i32
      %dma_start3A_32 = arith.constant 0 : i32
      %dma_start3A_33 = tpu.memref_slice %arg6[%dma_start3A_31, %dma_start3A_32] : memref<1280x32xf32, #tpu.memory_space<vmem>> -> memref<128x32xf32, #tpu.memory_space<vmem>>
      %dma_start3A_34 = arith.constant 0 : i32
      %dma_start3A_35 = tpu.memref_slice %arg5[%add3A_30, %dma_start3A_34] : memref<200x128xi32, #tpu.memory_space<vmem>> -> memref<1x128xi32, #tpu.memory_space<vmem>>
      %dma_start3A_36 = tpu.memref_squeeze %dma_start3A_35 : memref<1x128xi32, #tpu.memory_space<vmem>> -> memref<128xi32, #tpu.memory_space<vmem>>
      %dma_start3A_37 = arith.constant 0 : i32
      %dma_start3A_38 = arith.constant 0 : i32
      %dma_start3A_39 = tpu.memref_slice %arg3[%dma_start3A_37, %dma_start3A_38] : memref<1000000x32xf32, #tpu.memory_space<hbm>> -> memref<1000000x32xf32, #tpu.memory_space<hbm>>
      tpu.enqueue_indirect_dma source(%dma_start3A_39 : memref<1000000x32xf32, #tpu.memory_space<hbm>>) target(%dma_start3A_33 : memref<128x32xf32, #tpu.memory_space<vmem>>) offsets(%dma_start3A_36 : memref<128xi32, #tpu.memory_space<vmem>>) semaphore(%arg8 : memref<!tpu.dma_semaphore, #tpu.memory_space<semaphore_mem>>)
      %mul3A_40 = arith.constant 10 : i32
      %mul3A_41 = arith.muli %mul3A_12, %mul3A_40 : i32
      %add3A_42 = arith.constant 2 : i32
      %add3A_43 = arith.addi %mul3A_41, %add3A_42 : i32
      %dma_start3A_44 = arith.constant 256 : i32
      %dma_start3A_45 = arith.constant 0 : i32
      %dma_start3A_46 = tpu.memref_slice %arg6[%dma_start3A_44, %dma_start3A_45] : memref<1280x32xf32, #tpu.memory_space<vmem>> -> memref<128x32xf32, #tpu.memory_space<vmem>>
      %dma_start3A_47 = arith.constant 0 : i32
      %dma_start3A_48 = tpu.memref_slice %arg5[%add3A_43, %dma_start3A_47] : memref<200x128xi32, #tpu.memory_space<vmem>> -> memref<1x128xi32, #tpu.memory_space<vmem>>
      %dma_start3A_49 = tpu.memref_squeeze %dma_start3A_48 : memref<1x128xi32, #tpu.memory_space<vmem>> -> memref<128xi32, #tpu.memory_space<vmem>>
      %dma_start3A_50 = arith.constant 0 : i32
      %dma_start3A_51 = arith.constant 0 : i32
      %dma_start3A_52 = tpu.memref_slice %arg3[%dma_start3A_50, %dma_start3A_51] : memref<1000000x32xf32, #tpu.memory_space<hbm>> -> memref<1000000x32xf32, #tpu.memory_space<hbm>>
      tpu.enqueue_indirect_dma source(%dma_start3A_52 : memref<1000000x32xf32, #tpu.memory_space<hbm>>) target(%dma_start3A_46 : memref<128x32xf32, #tpu.memory_space<vmem>>) offsets(%dma_start3A_49 : memref<128xi32, #tpu.memory_space<vmem>>) semaphore(%arg8 : memref<!tpu.dma_semaphore, #tpu.memory_space<semaphore_mem>>)
      %mul3A_53 = arith.constant 10 : i32
      %mul3A_54 = arith.muli %mul3A_12, %mul3A_53 : i32
      %add3A_55 = arith.constant 3 : i32
      %add3A_56 = arith.addi %mul3A_54, %add3A_55 : i32
      %dma_start3A_57 = arith.constant 384 : i32
      %dma_start3A_58 = arith.constant 0 : i32
      %dma_start3A_59 = tpu.memref_slice %arg6[%dma_start3A_57, %dma_start3A_58] : memref<1280x32xf32, #tpu.memory_space<vmem>> -> memref<128x32xf32, #tpu.memory_space<vmem>>
      %dma_start3A_60 = arith.constant 0 : i32
      %dma_start3A_61 = tpu.memref_slice %arg5[%add3A_56, %dma_start3A_60] : memref<200x128xi32, #tpu.memory_space<vmem>> -> memref<1x128xi32, #tpu.memory_space<vmem>>
      %dma_start3A_62 = tpu.memref_squeeze %dma_start3A_61 : memref<1x128xi32, #tpu.memory_space<vmem>> -> memref<128xi32, #tpu.memory_space<vmem>>
      %dma_start3A_63 = arith.constant 0 : i32
      %dma_start3A_64 = arith.constant 0 : i32
      %dma_start3A_65 = tpu.memref_slice %arg3[%dma_start3A_63, %dma_start3A_64] : memref<1000000x32xf32, #tpu.memory_space<hbm>> -> memref<1000000x32xf32, #tpu.memory_space<hbm>>
      tpu.enqueue_indirect_dma source(%dma_start3A_65 : memref<1000000x32xf32, #tpu.memory_space<hbm>>) target(%dma_start3A_59 : memref<128x32xf32, #tpu.memory_space<vmem>>) offsets(%dma_start3A_62 : memref<128xi32, #tpu.memory_space<vmem>>) semaphore(%arg8 : memref<!tpu.dma_semaphore, #tpu.memory_space<semaphore_mem>>)
      %mul3A_66 = arith.constant 10 : i32
      %mul3A_67 = arith.muli %mul3A_12, %mul3A_66 : i32
      %add3A_68 = arith.constant 4 : i32
      %add3A_69 = arith.addi %mul3A_67, %add3A_68 : i32
      %dma_start3A_70 = arith.constant 512 : i32
      %dma_start3A_71 = arith.constant 0 : i32
      %dma_start3A_72 = tpu.memref_slice %arg6[%dma_start3A_70, %dma_start3A_71] : memref<1280x32xf32, #tpu.memory_space<vmem>> -> memref<128x32xf32, #tpu.memory_space<vmem>>
      %dma_start3A_73 = arith.constant 0 : i32
      %dma_start3A_74 = tpu.memref_slice %arg5[%add3A_69, %dma_start3A_73] : memref<200x128xi32, #tpu.memory_space<vmem>> -> memref<1x128xi32, #tpu.memory_space<vmem>>
      %dma_start3A_75 = tpu.memref_squeeze %dma_start3A_74 : memref<1x128xi32, #tpu.memory_space<vmem>> -> memref<128xi32, #tpu.memory_space<vmem>>
      %dma_start3A_76 = arith.constant 0 : i32
      %dma_start3A_77 = arith.constant 0 : i32
      %dma_start3A_78 = tpu.memref_slice %arg3[%dma_start3A_76, %dma_start3A_77] : memref<1000000x32xf32, #tpu.memory_space<hbm>> -> memref<1000000x32xf32, #tpu.memory_space<hbm>>
      tpu.enqueue_indirect_dma source(%dma_start3A_78 : memref<1000000x32xf32, #tpu.memory_space<hbm>>) target(%dma_start3A_72 : memref<128x32xf32, #tpu.memory_space<vmem>>) offsets(%dma_start3A_75 : memref<128xi32, #tpu.memory_space<vmem>>) semaphore(%arg8 : memref<!tpu.dma_semaphore, #tpu.memory_space<semaphore_mem>>)
      %mul3A_79 = arith.constant 10 : i32
      %mul3A_80 = arith.muli %mul3A_12, %mul3A_79 : i32
      %add3A_81 = arith.constant 5 : i32
      %add3A_82 = arith.addi %mul3A_80, %add3A_81 : i32
      %dma_start3A_83 = arith.constant 640 : i32
      %dma_start3A_84 = arith.constant 0 : i32
      %dma_start3A_85 = tpu.memref_slice %arg6[%dma_start3A_83, %dma_start3A_84] : memref<1280x32xf32, #tpu.memory_space<vmem>> -> memref<128x32xf32, #tpu.memory_space<vmem>>
      %dma_start3A_86 = arith.constant 0 : i32
      %dma_start3A_87 = tpu.memref_slice %arg5[%add3A_82, %dma_start3A_86] : memref<200x128xi32, #tpu.memory_space<vmem>> -> memref<1x128xi32, #tpu.memory_space<vmem>>
      %dma_start3A_88 = tpu.memref_squeeze %dma_start3A_87 : memref<1x128xi32, #tpu.memory_space<vmem>> -> memref<128xi32, #tpu.memory_space<vmem>>
      %dma_start3A_89 = arith.constant 0 : i32
      %dma_start3A_90 = arith.constant 0 : i32
      %dma_start3A_91 = tpu.memref_slice %arg3[%dma_start3A_89, %dma_start3A_90] : memref<1000000x32xf32, #tpu.memory_space<hbm>> -> memref<1000000x32xf32, #tpu.memory_space<hbm>>
      tpu.enqueue_indirect_dma source(%dma_start3A_91 : memref<1000000x32xf32, #tpu.memory_space<hbm>>) target(%dma_start3A_85 : memref<128x32xf32, #tpu.memory_space<vmem>>) offsets(%dma_start3A_88 : memref<128xi32, #tpu.memory_space<vmem>>) semaphore(%arg8 : memref<!tpu.dma_semaphore, #tpu.memory_space<semaphore_mem>>)
      %mul3A_92 = arith.constant 10 : i32
      %mul3A_93 = arith.muli %mul3A_12, %mul3A_92 : i32
      %add3A_94 = arith.constant 6 : i32
      %add3A_95 = arith.addi %mul3A_93, %add3A_94 : i32
      %dma_start3A_96 = arith.constant 768 : i32
      %dma_start3A_97 = arith.constant 0 : i32
      %dma_start3A_98 = tpu.memref_slice %arg6[%dma_start3A_96, %dma_start3A_97] : memref<1280x32xf32, #tpu.memory_space<vmem>> -> memref<128x32xf32, #tpu.memory_space<vmem>>
      %dma_start3A_99 = arith.constant 0 : i32
      %dma_start3A_100 = tpu.memref_slice %arg5[%add3A_95, %dma_start3A_99] : memref<200x128xi32, #tpu.memory_space<vmem>> -> memref<1x128xi32, #tpu.memory_space<vmem>>
      %dma_start3A_101 = tpu.memref_squeeze %dma_start3A_100 : memref<1x128xi32, #tpu.memory_space<vmem>> -> memref<128xi32, #tpu.memory_space<vmem>>
      %dma_start3A_102 = arith.constant 0 : i32
      %dma_start3A_103 = arith.constant 0 : i32
      %dma_start3A_104 = tpu.memref_slice %arg3[%dma_start3A_102, %dma_start3A_103] : memref<1000000x32xf32, #tpu.memory_space<hbm>> -> memref<1000000x32xf32, #tpu.memory_space<hbm>>
      tpu.enqueue_indirect_dma source(%dma_start3A_104 : memref<1000000x32xf32, #tpu.memory_space<hbm>>) target(%dma_start3A_98 : memref<128x32xf32, #tpu.memory_space<vmem>>) offsets(%dma_start3A_101 : memref<128xi32, #tpu.memory_space<vmem>>) semaphore(%arg8 : memref<!tpu.dma_semaphore, #tpu.memory_space<semaphore_mem>>)
      %mul3A_105 = arith.constant 10 : i32
      %mul3A_106 = arith.muli %mul3A_12, %mul3A_105 : i32
      %add3A_107 = arith.constant 7 : i32
      %add3A_108 = arith.addi %mul3A_106, %add3A_107 : i32
      %dma_start3A_109 = arith.constant 896 : i32
      %dma_start3A_110 = arith.constant 0 : i32
      %dma_start3A_111 = tpu.memref_slice %arg6[%dma_start3A_109, %dma_start3A_110] : memref<1280x32xf32, #tpu.memory_space<vmem>> -> memref<128x32xf32, #tpu.memory_space<vmem>>
      %dma_start3A_112 = arith.constant 0 : i32
      %dma_start3A_113 = tpu.memref_slice %arg5[%add3A_108, %dma_start3A_112] : memref<200x128xi32, #tpu.memory_space<vmem>> -> memref<1x128xi32, #tpu.memory_space<vmem>>
      %dma_start3A_114 = tpu.memref_squeeze %dma_start3A_113 : memref<1x128xi32, #tpu.memory_space<vmem>> -> memref<128xi32, #tpu.memory_space<vmem>>
      %dma_start3A_115 = arith.constant 0 : i32
      %dma_start3A_116 = arith.constant 0 : i32
      %dma_start3A_117 = tpu.memref_slice %arg3[%dma_start3A_115, %dma_start3A_116] : memref<1000000x32xf32, #tpu.memory_space<hbm>> -> memref<1000000x32xf32, #tpu.memory_space<hbm>>
      tpu.enqueue_indirect_dma source(%dma_start3A_117 : memref<1000000x32xf32, #tpu.memory_space<hbm>>) target(%dma_start3A_111 : memref<128x32xf32, #tpu.memory_space<vmem>>) offsets(%dma_start3A_114 : memref<128xi32, #tpu.memory_space<vmem>>) semaphore(%arg8 : memref<!tpu.dma_semaphore, #tpu.memory_space<semaphore_mem>>)
      %mul3A_118 = arith.constant 10 : i32
      %mul3A_119 = arith.muli %mul3A_12, %mul3A_118 : i32
      %add3A_120 = arith.constant 8 : i32
      %add3A_121 = arith.addi %mul3A_119, %add3A_120 : i32
      %dma_start3A_122 = arith.constant 1024 : i32
      %dma_start3A_123 = arith.constant 0 : i32
      %dma_start3A_124 = tpu.memref_slice %arg6[%dma_start3A_122, %dma_start3A_123] : memref<1280x32xf32, #tpu.memory_space<vmem>> -> memref<128x32xf32, #tpu.memory_space<vmem>>
      %dma_start3A_125 = arith.constant 0 : i32
      %dma_start3A_126 = tpu.memref_slice %arg5[%add3A_121, %dma_start3A_125] : memref<200x128xi32, #tpu.memory_space<vmem>> -> memref<1x128xi32, #tpu.memory_space<vmem>>
      %dma_start3A_127 = tpu.memref_squeeze %dma_start3A_126 : memref<1x128xi32, #tpu.memory_space<vmem>> -> memref<128xi32, #tpu.memory_space<vmem>>
      %dma_start3A_128 = arith.constant 0 : i32
      %dma_start3A_129 = arith.constant 0 : i32
      %dma_start3A_130 = tpu.memref_slice %arg3[%dma_start3A_128, %dma_start3A_129] : memref<1000000x32xf32, #tpu.memory_space<hbm>> -> memref<1000000x32xf32, #tpu.memory_space<hbm>>
      tpu.enqueue_indirect_dma source(%dma_start3A_130 : memref<1000000x32xf32, #tpu.memory_space<hbm>>) target(%dma_start3A_124 : memref<128x32xf32, #tpu.memory_space<vmem>>) offsets(%dma_start3A_127 : memref<128xi32, #tpu.memory_space<vmem>>) semaphore(%arg8 : memref<!tpu.dma_semaphore, #tpu.memory_space<semaphore_mem>>)
      %mul3A_131 = arith.constant 10 : i32
      %mul3A_132 = arith.muli %mul3A_12, %mul3A_131 : i32
      %add3A_133 = arith.constant 9 : i32
      %add3A_134 = arith.addi %mul3A_132, %add3A_133 : i32
      %dma_start3A_135 = arith.constant 1152 : i32
      %dma_start3A_136 = arith.constant 0 : i32
      %dma_start3A_137 = tpu.memref_slice %arg6[%dma_start3A_135, %dma_start3A_136] : memref<1280x32xf32, #tpu.memory_space<vmem>> -> memref<128x32xf32, #tpu.memory_space<vmem>>
      %dma_start3A_138 = arith.constant 0 : i32
      %dma_start3A_139 = tpu.memref_slice %arg5[%add3A_134, %dma_start3A_138] : memref<200x128xi32, #tpu.memory_space<vmem>> -> memref<1x128xi32, #tpu.memory_space<vmem>>
      %dma_start3A_140 = tpu.memref_squeeze %dma_start3A_139 : memref<1x128xi32, #tpu.memory_space<vmem>> -> memref<128xi32, #tpu.memory_space<vmem>>
      %dma_start3A_141 = arith.constant 0 : i32
      %dma_start3A_142 = arith.constant 0 : i32
      %dma_start3A_143 = tpu.memref_slice %arg3[%dma_start3A_141, %dma_start3A_142] : memref<1000000x32xf32, #tpu.memory_space<hbm>> -> memref<1000000x32xf32, #tpu.memory_space<hbm>>
      tpu.enqueue_indirect_dma source(%dma_start3A_143 : memref<1000000x32xf32, #tpu.memory_space<hbm>>) target(%dma_start3A_137 : memref<128x32xf32, #tpu.memory_space<vmem>>) offsets(%dma_start3A_140 : memref<128xi32, #tpu.memory_space<vmem>>) semaphore(%arg8 : memref<!tpu.dma_semaphore, #tpu.memory_space<semaphore_mem>>)
      %dma_wait3A = arith.constant 0 : i32
      %dma_wait3A_144 = arith.constant 0 : i32
      %dma_wait3A_145 = tpu.memref_slice %arg6[%dma_wait3A, %dma_wait3A_144] : memref<1280x32xf32, #tpu.memory_space<vmem>> -> memref<128x32xf32, #tpu.memory_space<vmem>>
      %dma_wait3A_146 = arith.constant 0 : i32
      %dma_wait3A_147 = tpu.memref_slice %arg5[%add3A_18, %dma_wait3A_146] : memref<200x128xi32, #tpu.memory_space<vmem>> -> memref<1x128xi32, #tpu.memory_space<vmem>>
      %dma_wait3A_148 = tpu.memref_squeeze %dma_wait3A_147 : memref<1x128xi32, #tpu.memory_space<vmem>> -> memref<128xi32, #tpu.memory_space<vmem>>
      %dma_wait3A_149 = arith.constant 0 : i32
      %dma_wait3A_150 = arith.constant 0 : i32
      %dma_wait3A_151 = tpu.memref_slice %arg3[%dma_wait3A_149, %dma_wait3A_150] : memref<1000000x32xf32, #tpu.memory_space<hbm>> -> memref<1000000x32xf32, #tpu.memory_space<hbm>>
      tpu.wait_indirect_dma semaphore(%arg8 : memref<!tpu.dma_semaphore, #tpu.memory_space<semaphore_mem>>) src(%dma_wait3A_151 : memref<1000000x32xf32, #tpu.memory_space<hbm>>) dst(%dma_wait3A_145 : memref<128x32xf32, #tpu.memory_space<vmem>>)
      %dma_wait3A_152 = arith.constant 128 : i32
      %dma_wait3A_153 = arith.constant 0 : i32
      %dma_wait3A_154 = tpu.memref_slice %arg6[%dma_wait3A_152, %dma_wait3A_153] : memref<1280x32xf32, #tpu.memory_space<vmem>> -> memref<128x32xf32, #tpu.memory_space<vmem>>
      %dma_wait3A_155 = arith.constant 0 : i32
      %dma_wait3A_156 = tpu.memref_slice %arg5[%add3A_30, %dma_wait3A_155] : memref<200x128xi32, #tpu.memory_space<vmem>> -> memref<1x128xi32, #tpu.memory_space<vmem>>
      %dma_wait3A_157 = tpu.memref_squeeze %dma_wait3A_156 : memref<1x128xi32, #tpu.memory_space<vmem>> -> memref<128xi32, #tpu.memory_space<vmem>>
      %dma_wait3A_158 = arith.constant 0 : i32
      %dma_wait3A_159 = arith.constant 0 : i32
      %dma_wait3A_160 = tpu.memref_slice %arg3[%dma_wait3A_158, %dma_wait3A_159] : memref<1000000x32xf32, #tpu.memory_space<hbm>> -> memref<1000000x32xf32, #tpu.memory_space<hbm>>
      tpu.wait_indirect_dma semaphore(%arg8 : memref<!tpu.dma_semaphore, #tpu.memory_space<semaphore_mem>>) src(%dma_wait3A_160 : memref<1000000x32xf32, #tpu.memory_space<hbm>>) dst(%dma_wait3A_154 : memref<128x32xf32, #tpu.memory_space<vmem>>)
      %dma_wait3A_161 = arith.constant 256 : i32
      %dma_wait3A_162 = arith.constant 0 : i32
      %dma_wait3A_163 = tpu.memref_slice %arg6[%dma_wait3A_161, %dma_wait3A_162] : memref<1280x32xf32, #tpu.memory_space<vmem>> -> memref<128x32xf32, #tpu.memory_space<vmem>>
      %dma_wait3A_164 = arith.constant 0 : i32
      %dma_wait3A_165 = tpu.memref_slice %arg5[%add3A_43, %dma_wait3A_164] : memref<200x128xi32, #tpu.memory_space<vmem>> -> memref<1x128xi32, #tpu.memory_space<vmem>>
      %dma_wait3A_166 = tpu.memref_squeeze %dma_wait3A_165 : memref<1x128xi32, #tpu.memory_space<vmem>> -> memref<128xi32, #tpu.memory_space<vmem>>
      %dma_wait3A_167 = arith.constant 0 : i32
      %dma_wait3A_168 = arith.constant 0 : i32
      %dma_wait3A_169 = tpu.memref_slice %arg3[%dma_wait3A_167, %dma_wait3A_168] : memref<1000000x32xf32, #tpu.memory_space<hbm>> -> memref<1000000x32xf32, #tpu.memory_space<hbm>>
      tpu.wait_indirect_dma semaphore(%arg8 : memref<!tpu.dma_semaphore, #tpu.memory_space<semaphore_mem>>) src(%dma_wait3A_169 : memref<1000000x32xf32, #tpu.memory_space<hbm>>) dst(%dma_wait3A_163 : memref<128x32xf32, #tpu.memory_space<vmem>>)
      %dma_wait3A_170 = arith.constant 384 : i32
      %dma_wait3A_171 = arith.constant 0 : i32
      %dma_wait3A_172 = tpu.memref_slice %arg6[%dma_wait3A_170, %dma_wait3A_171] : memref<1280x32xf32, #tpu.memory_space<vmem>> -> memref<128x32xf32, #tpu.memory_space<vmem>>
      %dma_wait3A_173 = arith.constant 0 : i32
      %dma_wait3A_174 = tpu.memref_slice %arg5[%add3A_56, %dma_wait3A_173] : memref<200x128xi32, #tpu.memory_space<vmem>> -> memref<1x128xi32, #tpu.memory_space<vmem>>
      %dma_wait3A_175 = tpu.memref_squeeze %dma_wait3A_174 : memref<1x128xi32, #tpu.memory_space<vmem>> -> memref<128xi32, #tpu.memory_space<vmem>>
      %dma_wait3A_176 = arith.constant 0 : i32
      %dma_wait3A_177 = arith.constant 0 : i32
      %dma_wait3A_178 = tpu.memref_slice %arg3[%dma_wait3A_176, %dma_wait3A_177] : memref<1000000x32xf32, #tpu.memory_space<hbm>> -> memref<1000000x32xf32, #tpu.memory_space<hbm>>
      tpu.wait_indirect_dma semaphore(%arg8 : memref<!tpu.dma_semaphore, #tpu.memory_space<semaphore_mem>>) src(%dma_wait3A_178 : memref<1000000x32xf32, #tpu.memory_space<hbm>>) dst(%dma_wait3A_172 : memref<128x32xf32, #tpu.memory_space<vmem>>)
      %dma_wait3A_179 = arith.constant 512 : i32
      %dma_wait3A_180 = arith.constant 0 : i32
      %dma_wait3A_181 = tpu.memref_slice %arg6[%dma_wait3A_179, %dma_wait3A_180] : memref<1280x32xf32, #tpu.memory_space<vmem>> -> memref<128x32xf32, #tpu.memory_space<vmem>>
      %dma_wait3A_182 = arith.constant 0 : i32
      %dma_wait3A_183 = tpu.memref_slice %arg5[%add3A_69, %dma_wait3A_182] : memref<200x128xi32, #tpu.memory_space<vmem>> -> memref<1x128xi32, #tpu.memory_space<vmem>>
      %dma_wait3A_184 = tpu.memref_squeeze %dma_wait3A_183 : memref<1x128xi32, #tpu.memory_space<vmem>> -> memref<128xi32, #tpu.memory_space<vmem>>
      %dma_wait3A_185 = arith.constant 0 : i32
      %dma_wait3A_186 = arith.constant 0 : i32
      %dma_wait3A_187 = tpu.memref_slice %arg3[%dma_wait3A_185, %dma_wait3A_186] : memref<1000000x32xf32, #tpu.memory_space<hbm>> -> memref<1000000x32xf32, #tpu.memory_space<hbm>>
      tpu.wait_indirect_dma semaphore(%arg8 : memref<!tpu.dma_semaphore, #tpu.memory_space<semaphore_mem>>) src(%dma_wait3A_187 : memref<1000000x32xf32, #tpu.memory_space<hbm>>) dst(%dma_wait3A_181 : memref<128x32xf32, #tpu.memory_space<vmem>>)
      %dma_wait3A_188 = arith.constant 640 : i32
      %dma_wait3A_189 = arith.constant 0 : i32
      %dma_wait3A_190 = tpu.memref_slice %arg6[%dma_wait3A_188, %dma_wait3A_189] : memref<1280x32xf32, #tpu.memory_space<vmem>> -> memref<128x32xf32, #tpu.memory_space<vmem>>
      %dma_wait3A_191 = arith.constant 0 : i32
      %dma_wait3A_192 = tpu.memref_slice %arg5[%add3A_82, %dma_wait3A_191] : memref<200x128xi32, #tpu.memory_space<vmem>> -> memref<1x128xi32, #tpu.memory_space<vmem>>
      %dma_wait3A_193 = tpu.memref_squeeze %dma_wait3A_192 : memref<1x128xi32, #tpu.memory_space<vmem>> -> memref<128xi32, #tpu.memory_space<vmem>>
      %dma_wait3A_194 = arith.constant 0 : i32
      %dma_wait3A_195 = arith.constant 0 : i32
      %dma_wait3A_196 = tpu.memref_slice %arg3[%dma_wait3A_194, %dma_wait3A_195] : memref<1000000x32xf32, #tpu.memory_space<hbm>> -> memref<1000000x32xf32, #tpu.memory_space<hbm>>
      tpu.wait_indirect_dma semaphore(%arg8 : memref<!tpu.dma_semaphore, #tpu.memory_space<semaphore_mem>>) src(%dma_wait3A_196 : memref<1000000x32xf32, #tpu.memory_space<hbm>>) dst(%dma_wait3A_190 : memref<128x32xf32, #tpu.memory_space<vmem>>)
      %dma_wait3A_197 = arith.constant 768 : i32
      %dma_wait3A_198 = arith.constant 0 : i32
      %dma_wait3A_199 = tpu.memref_slice %arg6[%dma_wait3A_197, %dma_wait3A_198] : memref<1280x32xf32, #tpu.memory_space<vmem>> -> memref<128x32xf32, #tpu.memory_space<vmem>>
      %dma_wait3A_200 = arith.constant 0 : i32
      %dma_wait3A_201 = tpu.memref_slice %arg5[%add3A_95, %dma_wait3A_200] : memref<200x128xi32, #tpu.memory_space<vmem>> -> memref<1x128xi32, #tpu.memory_space<vmem>>
      %dma_wait3A_202 = tpu.memref_squeeze %dma_wait3A_201 : memref<1x128xi32, #tpu.memory_space<vmem>> -> memref<128xi32, #tpu.memory_space<vmem>>
      %dma_wait3A_203 = arith.constant 0 : i32
      %dma_wait3A_204 = arith.constant 0 : i32
      %dma_wait3A_205 = tpu.memref_slice %arg3[%dma_wait3A_203, %dma_wait3A_204] : memref<1000000x32xf32, #tpu.memory_space<hbm>> -> memref<1000000x32xf32, #tpu.memory_space<hbm>>
      tpu.wait_indirect_dma semaphore(%arg8 : memref<!tpu.dma_semaphore, #tpu.memory_space<semaphore_mem>>) src(%dma_wait3A_205 : memref<1000000x32xf32, #tpu.memory_space<hbm>>) dst(%dma_wait3A_199 : memref<128x32xf32, #tpu.memory_space<vmem>>)
      %dma_wait3A_206 = arith.constant 896 : i32
      %dma_wait3A_207 = arith.constant 0 : i32
      %dma_wait3A_208 = tpu.memref_slice %arg6[%dma_wait3A_206, %dma_wait3A_207] : memref<1280x32xf32, #tpu.memory_space<vmem>> -> memref<128x32xf32, #tpu.memory_space<vmem>>
      %dma_wait3A_209 = arith.constant 0 : i32
      %dma_wait3A_210 = tpu.memref_slice %arg5[%add3A_108, %dma_wait3A_209] : memref<200x128xi32, #tpu.memory_space<vmem>> -> memref<1x128xi32, #tpu.memory_space<vmem>>
      %dma_wait3A_211 = tpu.memref_squeeze %dma_wait3A_210 : memref<1x128xi32, #tpu.memory_space<vmem>> -> memref<128xi32, #tpu.memory_space<vmem>>
      %dma_wait3A_212 = arith.constant 0 : i32
      %dma_wait3A_213 = arith.constant 0 : i32
      %dma_wait3A_214 = tpu.memref_slice %arg3[%dma_wait3A_212, %dma_wait3A_213] : memref<1000000x32xf32, #tpu.memory_space<hbm>> -> memref<1000000x32xf32, #tpu.memory_space<hbm>>
      tpu.wait_indirect_dma semaphore(%arg8 : memref<!tpu.dma_semaphore, #tpu.memory_space<semaphore_mem>>) src(%dma_wait3A_214 : memref<1000000x32xf32, #tpu.memory_space<hbm>>) dst(%dma_wait3A_208 : memref<128x32xf32, #tpu.memory_space<vmem>>)
      %dma_wait3A_215 = arith.constant 1024 : i32
      %dma_wait3A_216 = arith.constant 0 : i32
      %dma_wait3A_217 = tpu.memref_slice %arg6[%dma_wait3A_215, %dma_wait3A_216] : memref<1280x32xf32, #tpu.memory_space<vmem>> -> memref<128x32xf32, #tpu.memory_space<vmem>>
      %dma_wait3A_218 = arith.constant 0 : i32
      %dma_wait3A_219 = tpu.memref_slice %arg5[%add3A_121, %dma_wait3A_218] : memref<200x128xi32, #tpu.memory_space<vmem>> -> memref<1x128xi32, #tpu.memory_space<vmem>>
      %dma_wait3A_220 = tpu.memref_squeeze %dma_wait3A_219 : memref<1x128xi32, #tpu.memory_space<vmem>> -> memref<128xi32, #tpu.memory_space<vmem>>
      %dma_wait3A_221 = arith.constant 0 : i32
      %dma_wait3A_222 = arith.constant 0 : i32
      %dma_wait3A_223 = tpu.memref_slice %arg3[%dma_wait3A_221, %dma_wait3A_222] : memref<1000000x32xf32, #tpu.memory_space<hbm>> -> memref<1000000x32xf32, #tpu.memory_space<hbm>>
      tpu.wait_indirect_dma semaphore(%arg8 : memref<!tpu.dma_semaphore, #tpu.memory_space<semaphore_mem>>) src(%dma_wait3A_223 : memref<1000000x32xf32, #tpu.memory_space<hbm>>) dst(%dma_wait3A_217 : memref<128x32xf32, #tpu.memory_space<vmem>>)
      %dma_wait3A_224 = arith.constant 1152 : i32
      %dma_wait3A_225 = arith.constant 0 : i32
      %dma_wait3A_226 = tpu.memref_slice %arg6[%dma_wait3A_224, %dma_wait3A_225] : memref<1280x32xf32, #tpu.memory_space<vmem>> -> memref<128x32xf32, #tpu.memory_space<vmem>>
      %dma_wait3A_227 = arith.constant 0 : i32
      %dma_wait3A_228 = tpu.memref_slice %arg5[%add3A_134, %dma_wait3A_227] : memref<200x128xi32, #tpu.memory_space<vmem>> -> memref<1x128xi32, #tpu.memory_space<vmem>>
      %dma_wait3A_229 = tpu.memref_squeeze %dma_wait3A_228 : memref<1x128xi32, #tpu.memory_space<vmem>> -> memref<128xi32, #tpu.memory_space<vmem>>
      %dma_wait3A_230 = arith.constant 0 : i32
      %dma_wait3A_231 = arith.constant 0 : i32
      %dma_wait3A_232 = tpu.memref_slice %arg3[%dma_wait3A_230, %dma_wait3A_231] : memref<1000000x32xf32, #tpu.memory_space<hbm>> -> memref<1000000x32xf32, #tpu.memory_space<hbm>>
      tpu.wait_indirect_dma semaphore(%arg8 : memref<!tpu.dma_semaphore, #tpu.memory_space<semaphore_mem>>) src(%dma_wait3A_232 : memref<1000000x32xf32, #tpu.memory_space<hbm>>) dst(%dma_wait3A_226 : memref<128x32xf32, #tpu.memory_space<vmem>>)
      %mul3A_233 = arith.constant 1280 : i32
      %mul3A_234 = arith.muli %mul3A_12, %mul3A_233 : i32
      %add3A_235 = arith.addi %mul3A_4, %mul3A_234 : i32
      %dma_start3A_236 = arith.constant 0 : i32
      %dma_start3A_237 = tpu.memref_slice %arg4[%add3A_235, %dma_start3A_236] : memref<819200x32xf32, #tpu.memory_space<hbm>> -> memref<1280x32xf32, #tpu.memory_space<hbm>>
      %dma_start3A_238 = arith.constant 0 : i32
      %dma_start3A_239 = tpu.memref_slice %arg4[%add3A_235, %dma_start3A_238] : memref<819200x32xf32, #tpu.memory_space<hbm>> -> memref<1280x32xf32, #tpu.memory_space<hbm>>
      tpu.enqueue_dma source(%arg6 : memref<1280x32xf32, #tpu.memory_space<vmem>>) target(%dma_start3A_239 : memref<1280x32xf32, #tpu.memory_space<hbm>>) target_semaphore(%arg9 : memref<!tpu.dma_semaphore, #tpu.memory_space<semaphore_mem>>)
      %mul3A_240 = arith.constant 10 : i32
      %mul3A_241 = arith.muli %add3A_14, %mul3A_240 : i32
      %add3A_242 = arith.constant 0 : i32
      %add3A_243 = arith.addi %mul3A_241, %add3A_242 : i32
      %dma_start3A_244 = arith.constant 0 : i32
      %dma_start3A_245 = arith.constant 0 : i32
      %dma_start3A_246 = tpu.memref_slice %arg7[%dma_start3A_244, %dma_start3A_245] : memref<1280x32xf32, #tpu.memory_space<vmem>> -> memref<128x32xf32, #tpu.memory_space<vmem>>
      %dma_start3A_247 = arith.constant 0 : i32
      %dma_start3A_248 = tpu.memref_slice %arg5[%add3A_243, %dma_start3A_247] : memref<200x128xi32, #tpu.memory_space<vmem>> -> memref<1x128xi32, #tpu.memory_space<vmem>>
      %dma_start3A_249 = tpu.memref_squeeze %dma_start3A_248 : memref<1x128xi32, #tpu.memory_space<vmem>> -> memref<128xi32, #tpu.memory_space<vmem>>
      %dma_start3A_250 = arith.constant 0 : i32
      %dma_start3A_251 = arith.constant 0 : i32
      %dma_start3A_252 = tpu.memref_slice %arg3[%dma_start3A_250, %dma_start3A_251] : memref<1000000x32xf32, #tpu.memory_space<hbm>> -> memref<1000000x32xf32, #tpu.memory_space<hbm>>
      tpu.enqueue_indirect_dma source(%dma_start3A_252 : memref<1000000x32xf32, #tpu.memory_space<hbm>>) target(%dma_start3A_246 : memref<128x32xf32, #tpu.memory_space<vmem>>) offsets(%dma_start3A_249 : memref<128xi32, #tpu.memory_space<vmem>>) semaphore(%arg8 : memref<!tpu.dma_semaphore, #tpu.memory_space<semaphore_mem>>)
      %mul3A_253 = arith.constant 10 : i32
      %mul3A_254 = arith.muli %add3A_14, %mul3A_253 : i32
      %add3A_255 = arith.constant 1 : i32
      %add3A_256 = arith.addi %mul3A_254, %add3A_255 : i32
      %dma_start3A_257 = arith.constant 128 : i32
      %dma_start3A_258 = arith.constant 0 : i32
      %dma_start3A_259 = tpu.memref_slice %arg7[%dma_start3A_257, %dma_start3A_258] : memref<1280x32xf32, #tpu.memory_space<vmem>> -> memref<128x32xf32, #tpu.memory_space<vmem>>
      %dma_start3A_260 = arith.constant 0 : i32
      %dma_start3A_261 = tpu.memref_slice %arg5[%add3A_256, %dma_start3A_260] : memref<200x128xi32, #tpu.memory_space<vmem>> -> memref<1x128xi32, #tpu.memory_space<vmem>>
      %dma_start3A_262 = tpu.memref_squeeze %dma_start3A_261 : memref<1x128xi32, #tpu.memory_space<vmem>> -> memref<128xi32, #tpu.memory_space<vmem>>
      %dma_start3A_263 = arith.constant 0 : i32
      %dma_start3A_264 = arith.constant 0 : i32
      %dma_start3A_265 = tpu.memref_slice %arg3[%dma_start3A_263, %dma_start3A_264] : memref<1000000x32xf32, #tpu.memory_space<hbm>> -> memref<1000000x32xf32, #tpu.memory_space<hbm>>
      tpu.enqueue_indirect_dma source(%dma_start3A_265 : memref<1000000x32xf32, #tpu.memory_space<hbm>>) target(%dma_start3A_259 : memref<128x32xf32, #tpu.memory_space<vmem>>) offsets(%dma_start3A_262 : memref<128xi32, #tpu.memory_space<vmem>>) semaphore(%arg8 : memref<!tpu.dma_semaphore, #tpu.memory_space<semaphore_mem>>)
      %mul3A_266 = arith.constant 10 : i32
      %mul3A_267 = arith.muli %add3A_14, %mul3A_266 : i32
      %add3A_268 = arith.constant 2 : i32
      %add3A_269 = arith.addi %mul3A_267, %add3A_268 : i32
      %dma_start3A_270 = arith.constant 256 : i32
      %dma_start3A_271 = arith.constant 0 : i32
      %dma_start3A_272 = tpu.memref_slice %arg7[%dma_start3A_270, %dma_start3A_271] : memref<1280x32xf32, #tpu.memory_space<vmem>> -> memref<128x32xf32, #tpu.memory_space<vmem>>
      %dma_start3A_273 = arith.constant 0 : i32
      %dma_start3A_274 = tpu.memref_slice %arg5[%add3A_269, %dma_start3A_273] : memref<200x128xi32, #tpu.memory_space<vmem>> -> memref<1x128xi32, #tpu.memory_space<vmem>>
      %dma_start3A_275 = tpu.memref_squeeze %dma_start3A_274 : memref<1x128xi32, #tpu.memory_space<vmem>> -> memref<128xi32, #tpu.memory_space<vmem>>
      %dma_start3A_276 = arith.constant 0 : i32
      %dma_start3A_277 = arith.constant 0 : i32
      %dma_start3A_278 = tpu.memref_slice %arg3[%dma_start3A_276, %dma_start3A_277] : memref<1000000x32xf32, #tpu.memory_space<hbm>> -> memref<1000000x32xf32, #tpu.memory_space<hbm>>
      tpu.enqueue_indirect_dma source(%dma_start3A_278 : memref<1000000x32xf32, #tpu.memory_space<hbm>>) target(%dma_start3A_272 : memref<128x32xf32, #tpu.memory_space<vmem>>) offsets(%dma_start3A_275 : memref<128xi32, #tpu.memory_space<vmem>>) semaphore(%arg8 : memref<!tpu.dma_semaphore, #tpu.memory_space<semaphore_mem>>)
      %mul3A_279 = arith.constant 10 : i32
      %mul3A_280 = arith.muli %add3A_14, %mul3A_279 : i32
      %add3A_281 = arith.constant 3 : i32
      %add3A_282 = arith.addi %mul3A_280, %add3A_281 : i32
      %dma_start3A_283 = arith.constant 384 : i32
      %dma_start3A_284 = arith.constant 0 : i32
      %dma_start3A_285 = tpu.memref_slice %arg7[%dma_start3A_283, %dma_start3A_284] : memref<1280x32xf32, #tpu.memory_space<vmem>> -> memref<128x32xf32, #tpu.memory_space<vmem>>
      %dma_start3A_286 = arith.constant 0 : i32
      %dma_start3A_287 = tpu.memref_slice %arg5[%add3A_282, %dma_start3A_286] : memref<200x128xi32, #tpu.memory_space<vmem>> -> memref<1x128xi32, #tpu.memory_space<vmem>>
      %dma_start3A_288 = tpu.memref_squeeze %dma_start3A_287 : memref<1x128xi32, #tpu.memory_space<vmem>> -> memref<128xi32, #tpu.memory_space<vmem>>
      %dma_start3A_289 = arith.constant 0 : i32
      %dma_start3A_290 = arith.constant 0 : i32
      %dma_start3A_291 = tpu.memref_slice %arg3[%dma_start3A_289, %dma_start3A_290] : memref<1000000x32xf32, #tpu.memory_space<hbm>> -> memref<1000000x32xf32, #tpu.memory_space<hbm>>
      tpu.enqueue_indirect_dma source(%dma_start3A_291 : memref<1000000x32xf32, #tpu.memory_space<hbm>>) target(%dma_start3A_285 : memref<128x32xf32, #tpu.memory_space<vmem>>) offsets(%dma_start3A_288 : memref<128xi32, #tpu.memory_space<vmem>>) semaphore(%arg8 : memref<!tpu.dma_semaphore, #tpu.memory_space<semaphore_mem>>)
      %mul3A_292 = arith.constant 10 : i32
      %mul3A_293 = arith.muli %add3A_14, %mul3A_292 : i32
      %add3A_294 = arith.constant 4 : i32
      %add3A_295 = arith.addi %mul3A_293, %add3A_294 : i32
      %dma_start3A_296 = arith.constant 512 : i32
      %dma_start3A_297 = arith.constant 0 : i32
      %dma_start3A_298 = tpu.memref_slice %arg7[%dma_start3A_296, %dma_start3A_297] : memref<1280x32xf32, #tpu.memory_space<vmem>> -> memref<128x32xf32, #tpu.memory_space<vmem>>
      %dma_start3A_299 = arith.constant 0 : i32
      %dma_start3A_300 = tpu.memref_slice %arg5[%add3A_295, %dma_start3A_299] : memref<200x128xi32, #tpu.memory_space<vmem>> -> memref<1x128xi32, #tpu.memory_space<vmem>>
      %dma_start3A_301 = tpu.memref_squeeze %dma_start3A_300 : memref<1x128xi32, #tpu.memory_space<vmem>> -> memref<128xi32, #tpu.memory_space<vmem>>
      %dma_start3A_302 = arith.constant 0 : i32
      %dma_start3A_303 = arith.constant 0 : i32
      %dma_start3A_304 = tpu.memref_slice %arg3[%dma_start3A_302, %dma_start3A_303] : memref<1000000x32xf32, #tpu.memory_space<hbm>> -> memref<1000000x32xf32, #tpu.memory_space<hbm>>
      tpu.enqueue_indirect_dma source(%dma_start3A_304 : memref<1000000x32xf32, #tpu.memory_space<hbm>>) target(%dma_start3A_298 : memref<128x32xf32, #tpu.memory_space<vmem>>) offsets(%dma_start3A_301 : memref<128xi32, #tpu.memory_space<vmem>>) semaphore(%arg8 : memref<!tpu.dma_semaphore, #tpu.memory_space<semaphore_mem>>)
      %mul3A_305 = arith.constant 10 : i32
      %mul3A_306 = arith.muli %add3A_14, %mul3A_305 : i32
      %add3A_307 = arith.constant 5 : i32
      %add3A_308 = arith.addi %mul3A_306, %add3A_307 : i32
      %dma_start3A_309 = arith.constant 640 : i32
      %dma_start3A_310 = arith.constant 0 : i32
      %dma_start3A_311 = tpu.memref_slice %arg7[%dma_start3A_309, %dma_start3A_310] : memref<1280x32xf32, #tpu.memory_space<vmem>> -> memref<128x32xf32, #tpu.memory_space<vmem>>
      %dma_start3A_312 = arith.constant 0 : i32
      %dma_start3A_313 = tpu.memref_slice %arg5[%add3A_308, %dma_start3A_312] : memref<200x128xi32, #tpu.memory_space<vmem>> -> memref<1x128xi32, #tpu.memory_space<vmem>>
      %dma_start3A_314 = tpu.memref_squeeze %dma_start3A_313 : memref<1x128xi32, #tpu.memory_space<vmem>> -> memref<128xi32, #tpu.memory_space<vmem>>
      %dma_start3A_315 = arith.constant 0 : i32
      %dma_start3A_316 = arith.constant 0 : i32
      %dma_start3A_317 = tpu.memref_slice %arg3[%dma_start3A_315, %dma_start3A_316] : memref<1000000x32xf32, #tpu.memory_space<hbm>> -> memref<1000000x32xf32, #tpu.memory_space<hbm>>
      tpu.enqueue_indirect_dma source(%dma_start3A_317 : memref<1000000x32xf32, #tpu.memory_space<hbm>>) target(%dma_start3A_311 : memref<128x32xf32, #tpu.memory_space<vmem>>) offsets(%dma_start3A_314 : memref<128xi32, #tpu.memory_space<vmem>>) semaphore(%arg8 : memref<!tpu.dma_semaphore, #tpu.memory_space<semaphore_mem>>)
      %mul3A_318 = arith.constant 10 : i32
      %mul3A_319 = arith.muli %add3A_14, %mul3A_318 : i32
      %add3A_320 = arith.constant 6 : i32
      %add3A_321 = arith.addi %mul3A_319, %add3A_320 : i32
      %dma_start3A_322 = arith.constant 768 : i32
      %dma_start3A_323 = arith.constant 0 : i32
      %dma_start3A_324 = tpu.memref_slice %arg7[%dma_start3A_322, %dma_start3A_323] : memref<1280x32xf32, #tpu.memory_space<vmem>> -> memref<128x32xf32, #tpu.memory_space<vmem>>
      %dma_start3A_325 = arith.constant 0 : i32
      %dma_start3A_326 = tpu.memref_slice %arg5[%add3A_321, %dma_start3A_325] : memref<200x128xi32, #tpu.memory_space<vmem>> -> memref<1x128xi32, #tpu.memory_space<vmem>>
      %dma_start3A_327 = tpu.memref_squeeze %dma_start3A_326 : memref<1x128xi32, #tpu.memory_space<vmem>> -> memref<128xi32, #tpu.memory_space<vmem>>
      %dma_start3A_328 = arith.constant 0 : i32
      %dma_start3A_329 = arith.constant 0 : i32
      %dma_start3A_330 = tpu.memref_slice %arg3[%dma_start3A_328, %dma_start3A_329] : memref<1000000x32xf32, #tpu.memory_space<hbm>> -> memref<1000000x32xf32, #tpu.memory_space<hbm>>
      tpu.enqueue_indirect_dma source(%dma_start3A_330 : memref<1000000x32xf32, #tpu.memory_space<hbm>>) target(%dma_start3A_324 : memref<128x32xf32, #tpu.memory_space<vmem>>) offsets(%dma_start3A_327 : memref<128xi32, #tpu.memory_space<vmem>>) semaphore(%arg8 : memref<!tpu.dma_semaphore, #tpu.memory_space<semaphore_mem>>)
      %mul3A_331 = arith.constant 10 : i32
      %mul3A_332 = arith.muli %add3A_14, %mul3A_331 : i32
      %add3A_333 = arith.constant 7 : i32
      %add3A_334 = arith.addi %mul3A_332, %add3A_333 : i32
      %dma_start3A_335 = arith.constant 896 : i32
      %dma_start3A_336 = arith.constant 0 : i32
      %dma_start3A_337 = tpu.memref_slice %arg7[%dma_start3A_335, %dma_start3A_336] : memref<1280x32xf32, #tpu.memory_space<vmem>> -> memref<128x32xf32, #tpu.memory_space<vmem>>
      %dma_start3A_338 = arith.constant 0 : i32
      %dma_start3A_339 = tpu.memref_slice %arg5[%add3A_334, %dma_start3A_338] : memref<200x128xi32, #tpu.memory_space<vmem>> -> memref<1x128xi32, #tpu.memory_space<vmem>>
      %dma_start3A_340 = tpu.memref_squeeze %dma_start3A_339 : memref<1x128xi32, #tpu.memory_space<vmem>> -> memref<128xi32, #tpu.memory_space<vmem>>
      %dma_start3A_341 = arith.constant 0 : i32
      %dma_start3A_342 = arith.constant 0 : i32
      %dma_start3A_343 = tpu.memref_slice %arg3[%dma_start3A_341, %dma_start3A_342] : memref<1000000x32xf32, #tpu.memory_space<hbm>> -> memref<1000000x32xf32, #tpu.memory_space<hbm>>
      tpu.enqueue_indirect_dma source(%dma_start3A_343 : memref<1000000x32xf32, #tpu.memory_space<hbm>>) target(%dma_start3A_337 : memref<128x32xf32, #tpu.memory_space<vmem>>) offsets(%dma_start3A_340 : memref<128xi32, #tpu.memory_space<vmem>>) semaphore(%arg8 : memref<!tpu.dma_semaphore, #tpu.memory_space<semaphore_mem>>)
      %mul3A_344 = arith.constant 10 : i32
      %mul3A_345 = arith.muli %add3A_14, %mul3A_344 : i32
      %add3A_346 = arith.constant 8 : i32
      %add3A_347 = arith.addi %mul3A_345, %add3A_346 : i32
      %dma_start3A_348 = arith.constant 1024 : i32
      %dma_start3A_349 = arith.constant 0 : i32
      %dma_start3A_350 = tpu.memref_slice %arg7[%dma_start3A_348, %dma_start3A_349] : memref<1280x32xf32, #tpu.memory_space<vmem>> -> memref<128x32xf32, #tpu.memory_space<vmem>>
      %dma_start3A_351 = arith.constant 0 : i32
      %dma_start3A_352 = tpu.memref_slice %arg5[%add3A_347, %dma_start3A_351] : memref<200x128xi32, #tpu.memory_space<vmem>> -> memref<1x128xi32, #tpu.memory_space<vmem>>
      %dma_start3A_353 = tpu.memref_squeeze %dma_start3A_352 : memref<1x128xi32, #tpu.memory_space<vmem>> -> memref<128xi32, #tpu.memory_space<vmem>>
      %dma_start3A_354 = arith.constant 0 : i32
      %dma_start3A_355 = arith.constant 0 : i32
      %dma_start3A_356 = tpu.memref_slice %arg3[%dma_start3A_354, %dma_start3A_355] : memref<1000000x32xf32, #tpu.memory_space<hbm>> -> memref<1000000x32xf32, #tpu.memory_space<hbm>>
      tpu.enqueue_indirect_dma source(%dma_start3A_356 : memref<1000000x32xf32, #tpu.memory_space<hbm>>) target(%dma_start3A_350 : memref<128x32xf32, #tpu.memory_space<vmem>>) offsets(%dma_start3A_353 : memref<128xi32, #tpu.memory_space<vmem>>) semaphore(%arg8 : memref<!tpu.dma_semaphore, #tpu.memory_space<semaphore_mem>>)
      %mul3A_357 = arith.constant 10 : i32
      %mul3A_358 = arith.muli %add3A_14, %mul3A_357 : i32
      %add3A_359 = arith.constant 9 : i32
      %add3A_360 = arith.addi %mul3A_358, %add3A_359 : i32
      %dma_start3A_361 = arith.constant 1152 : i32
      %dma_start3A_362 = arith.constant 0 : i32
      %dma_start3A_363 = tpu.memref_slice %arg7[%dma_start3A_361, %dma_start3A_362] : memref<1280x32xf32, #tpu.memory_space<vmem>> -> memref<128x32xf32, #tpu.memory_space<vmem>>
      %dma_start3A_364 = arith.constant 0 : i32
      %dma_start3A_365 = tpu.memref_slice %arg5[%add3A_360, %dma_start3A_364] : memref<200x128xi32, #tpu.memory_space<vmem>> -> memref<1x128xi32, #tpu.memory_space<vmem>>
      %dma_start3A_366 = tpu.memref_squeeze %dma_start3A_365 : memref<1x128xi32, #tpu.memory_space<vmem>> -> memref<128xi32, #tpu.memory_space<vmem>>
      %dma_start3A_367 = arith.constant 0 : i32
      %dma_start3A_368 = arith.constant 0 : i32
      %dma_start3A_369 = tpu.memref_slice %arg3[%dma_start3A_367, %dma_start3A_368] : memref<1000000x32xf32, #tpu.memory_space<hbm>> -> memref<1000000x32xf32, #tpu.memory_space<hbm>>
      tpu.enqueue_indirect_dma source(%dma_start3A_369 : memref<1000000x32xf32, #tpu.memory_space<hbm>>) target(%dma_start3A_363 : memref<128x32xf32, #tpu.memory_space<vmem>>) offsets(%dma_start3A_366 : memref<128xi32, #tpu.memory_space<vmem>>) semaphore(%arg8 : memref<!tpu.dma_semaphore, #tpu.memory_space<semaphore_mem>>)
      %dma_wait3A_370 = arith.constant 0 : i32
      %dma_wait3A_371 = arith.constant 0 : i32
      %dma_wait3A_372 = tpu.memref_slice %arg7[%dma_wait3A_370, %dma_wait3A_371] : memref<1280x32xf32, #tpu.memory_space<vmem>> -> memref<128x32xf32, #tpu.memory_space<vmem>>
      %dma_wait3A_373 = arith.constant 0 : i32
      %dma_wait3A_374 = tpu.memref_slice %arg5[%add3A_243, %dma_wait3A_373] : memref<200x128xi32, #tpu.memory_space<vmem>> -> memref<1x128xi32, #tpu.memory_space<vmem>>
      %dma_wait3A_375 = tpu.memref_squeeze %dma_wait3A_374 : memref<1x128xi32, #tpu.memory_space<vmem>> -> memref<128xi32, #tpu.memory_space<vmem>>
      %dma_wait3A_376 = arith.constant 0 : i32
      %dma_wait3A_377 = arith.constant 0 : i32
      %dma_wait3A_378 = tpu.memref_slice %arg3[%dma_wait3A_376, %dma_wait3A_377] : memref<1000000x32xf32, #tpu.memory_space<hbm>> -> memref<1000000x32xf32, #tpu.memory_space<hbm>>
      tpu.wait_indirect_dma semaphore(%arg8 : memref<!tpu.dma_semaphore, #tpu.memory_space<semaphore_mem>>) src(%dma_wait3A_378 : memref<1000000x32xf32, #tpu.memory_space<hbm>>) dst(%dma_wait3A_372 : memref<128x32xf32, #tpu.memory_space<vmem>>)
      %dma_wait3A_379 = arith.constant 128 : i32
      %dma_wait3A_380 = arith.constant 0 : i32
      %dma_wait3A_381 = tpu.memref_slice %arg7[%dma_wait3A_379, %dma_wait3A_380] : memref<1280x32xf32, #tpu.memory_space<vmem>> -> memref<128x32xf32, #tpu.memory_space<vmem>>
      %dma_wait3A_382 = arith.constant 0 : i32
      %dma_wait3A_383 = tpu.memref_slice %arg5[%add3A_256, %dma_wait3A_382] : memref<200x128xi32, #tpu.memory_space<vmem>> -> memref<1x128xi32, #tpu.memory_space<vmem>>
      %dma_wait3A_384 = tpu.memref_squeeze %dma_wait3A_383 : memref<1x128xi32, #tpu.memory_space<vmem>> -> memref<128xi32, #tpu.memory_space<vmem>>
      %dma_wait3A_385 = arith.constant 0 : i32
      %dma_wait3A_386 = arith.constant 0 : i32
      %dma_wait3A_387 = tpu.memref_slice %arg3[%dma_wait3A_385, %dma_wait3A_386] : memref<1000000x32xf32, #tpu.memory_space<hbm>> -> memref<1000000x32xf32, #tpu.memory_space<hbm>>
      tpu.wait_indirect_dma semaphore(%arg8 : memref<!tpu.dma_semaphore, #tpu.memory_space<semaphore_mem>>) src(%dma_wait3A_387 : memref<1000000x32xf32, #tpu.memory_space<hbm>>) dst(%dma_wait3A_381 : memref<128x32xf32, #tpu.memory_space<vmem>>)
      %dma_wait3A_388 = arith.constant 256 : i32
      %dma_wait3A_389 = arith.constant 0 : i32
      %dma_wait3A_390 = tpu.memref_slice %arg7[%dma_wait3A_388, %dma_wait3A_389] : memref<1280x32xf32, #tpu.memory_space<vmem>> -> memref<128x32xf32, #tpu.memory_space<vmem>>
      %dma_wait3A_391 = arith.constant 0 : i32
      %dma_wait3A_392 = tpu.memref_slice %arg5[%add3A_269, %dma_wait3A_391] : memref<200x128xi32, #tpu.memory_space<vmem>> -> memref<1x128xi32, #tpu.memory_space<vmem>>
      %dma_wait3A_393 = tpu.memref_squeeze %dma_wait3A_392 : memref<1x128xi32, #tpu.memory_space<vmem>> -> memref<128xi32, #tpu.memory_space<vmem>>
      %dma_wait3A_394 = arith.constant 0 : i32
      %dma_wait3A_395 = arith.constant 0 : i32
      %dma_wait3A_396 = tpu.memref_slice %arg3[%dma_wait3A_394, %dma_wait3A_395] : memref<1000000x32xf32, #tpu.memory_space<hbm>> -> memref<1000000x32xf32, #tpu.memory_space<hbm>>
      tpu.wait_indirect_dma semaphore(%arg8 : memref<!tpu.dma_semaphore, #tpu.memory_space<semaphore_mem>>) src(%dma_wait3A_396 : memref<1000000x32xf32, #tpu.memory_space<hbm>>) dst(%dma_wait3A_390 : memref<128x32xf32, #tpu.memory_space<vmem>>)
      %dma_wait3A_397 = arith.constant 384 : i32
      %dma_wait3A_398 = arith.constant 0 : i32
      %dma_wait3A_399 = tpu.memref_slice %arg7[%dma_wait3A_397, %dma_wait3A_398] : memref<1280x32xf32, #tpu.memory_space<vmem>> -> memref<128x32xf32, #tpu.memory_space<vmem>>
      %dma_wait3A_400 = arith.constant 0 : i32
      %dma_wait3A_401 = tpu.memref_slice %arg5[%add3A_282, %dma_wait3A_400] : memref<200x128xi32, #tpu.memory_space<vmem>> -> memref<1x128xi32, #tpu.memory_space<vmem>>
      %dma_wait3A_402 = tpu.memref_squeeze %dma_wait3A_401 : memref<1x128xi32, #tpu.memory_space<vmem>> -> memref<128xi32, #tpu.memory_space<vmem>>
      %dma_wait3A_403 = arith.constant 0 : i32
      %dma_wait3A_404 = arith.constant 0 : i32
      %dma_wait3A_405 = tpu.memref_slice %arg3[%dma_wait3A_403, %dma_wait3A_404] : memref<1000000x32xf32, #tpu.memory_space<hbm>> -> memref<1000000x32xf32, #tpu.memory_space<hbm>>
      tpu.wait_indirect_dma semaphore(%arg8 : memref<!tpu.dma_semaphore, #tpu.memory_space<semaphore_mem>>) src(%dma_wait3A_405 : memref<1000000x32xf32, #tpu.memory_space<hbm>>) dst(%dma_wait3A_399 : memref<128x32xf32, #tpu.memory_space<vmem>>)
      %dma_wait3A_406 = arith.constant 512 : i32
      %dma_wait3A_407 = arith.constant 0 : i32
      %dma_wait3A_408 = tpu.memref_slice %arg7[%dma_wait3A_406, %dma_wait3A_407] : memref<1280x32xf32, #tpu.memory_space<vmem>> -> memref<128x32xf32, #tpu.memory_space<vmem>>
      %dma_wait3A_409 = arith.constant 0 : i32
      %dma_wait3A_410 = tpu.memref_slice %arg5[%add3A_295, %dma_wait3A_409] : memref<200x128xi32, #tpu.memory_space<vmem>> -> memref<1x128xi32, #tpu.memory_space<vmem>>
      %dma_wait3A_411 = tpu.memref_squeeze %dma_wait3A_410 : memref<1x128xi32, #tpu.memory_space<vmem>> -> memref<128xi32, #tpu.memory_space<vmem>>
      %dma_wait3A_412 = arith.constant 0 : i32
      %dma_wait3A_413 = arith.constant 0 : i32
      %dma_wait3A_414 = tpu.memref_slice %arg3[%dma_wait3A_412, %dma_wait3A_413] : memref<1000000x32xf32, #tpu.memory_space<hbm>> -> memref<1000000x32xf32, #tpu.memory_space<hbm>>
      tpu.wait_indirect_dma semaphore(%arg8 : memref<!tpu.dma_semaphore, #tpu.memory_space<semaphore_mem>>) src(%dma_wait3A_414 : memref<1000000x32xf32, #tpu.memory_space<hbm>>) dst(%dma_wait3A_408 : memref<128x32xf32, #tpu.memory_space<vmem>>)
      %dma_wait3A_415 = arith.constant 640 : i32
      %dma_wait3A_416 = arith.constant 0 : i32
      %dma_wait3A_417 = tpu.memref_slice %arg7[%dma_wait3A_415, %dma_wait3A_416] : memref<1280x32xf32, #tpu.memory_space<vmem>> -> memref<128x32xf32, #tpu.memory_space<vmem>>
      %dma_wait3A_418 = arith.constant 0 : i32
      %dma_wait3A_419 = tpu.memref_slice %arg5[%add3A_308, %dma_wait3A_418] : memref<200x128xi32, #tpu.memory_space<vmem>> -> memref<1x128xi32, #tpu.memory_space<vmem>>
      %dma_wait3A_420 = tpu.memref_squeeze %dma_wait3A_419 : memref<1x128xi32, #tpu.memory_space<vmem>> -> memref<128xi32, #tpu.memory_space<vmem>>
      %dma_wait3A_421 = arith.constant 0 : i32
      %dma_wait3A_422 = arith.constant 0 : i32
      %dma_wait3A_423 = tpu.memref_slice %arg3[%dma_wait3A_421, %dma_wait3A_422] : memref<1000000x32xf32, #tpu.memory_space<hbm>> -> memref<1000000x32xf32, #tpu.memory_space<hbm>>
      tpu.wait_indirect_dma semaphore(%arg8 : memref<!tpu.dma_semaphore, #tpu.memory_space<semaphore_mem>>) src(%dma_wait3A_423 : memref<1000000x32xf32, #tpu.memory_space<hbm>>) dst(%dma_wait3A_417 : memref<128x32xf32, #tpu.memory_space<vmem>>)
      %dma_wait3A_424 = arith.constant 768 : i32
      %dma_wait3A_425 = arith.constant 0 : i32
      %dma_wait3A_426 = tpu.memref_slice %arg7[%dma_wait3A_424, %dma_wait3A_425] : memref<1280x32xf32, #tpu.memory_space<vmem>> -> memref<128x32xf32, #tpu.memory_space<vmem>>
      %dma_wait3A_427 = arith.constant 0 : i32
      %dma_wait3A_428 = tpu.memref_slice %arg5[%add3A_321, %dma_wait3A_427] : memref<200x128xi32, #tpu.memory_space<vmem>> -> memref<1x128xi32, #tpu.memory_space<vmem>>
      %dma_wait3A_429 = tpu.memref_squeeze %dma_wait3A_428 : memref<1x128xi32, #tpu.memory_space<vmem>> -> memref<128xi32, #tpu.memory_space<vmem>>
      %dma_wait3A_430 = arith.constant 0 : i32
      %dma_wait3A_431 = arith.constant 0 : i32
      %dma_wait3A_432 = tpu.memref_slice %arg3[%dma_wait3A_430, %dma_wait3A_431] : memref<1000000x32xf32, #tpu.memory_space<hbm>> -> memref<1000000x32xf32, #tpu.memory_space<hbm>>
      tpu.wait_indirect_dma semaphore(%arg8 : memref<!tpu.dma_semaphore, #tpu.memory_space<semaphore_mem>>) src(%dma_wait3A_432 : memref<1000000x32xf32, #tpu.memory_space<hbm>>) dst(%dma_wait3A_426 : memref<128x32xf32, #tpu.memory_space<vmem>>)
      %dma_wait3A_433 = arith.constant 896 : i32
      %dma_wait3A_434 = arith.constant 0 : i32
      %dma_wait3A_435 = tpu.memref_slice %arg7[%dma_wait3A_433, %dma_wait3A_434] : memref<1280x32xf32, #tpu.memory_space<vmem>> -> memref<128x32xf32, #tpu.memory_space<vmem>>
      %dma_wait3A_436 = arith.constant 0 : i32
      %dma_wait3A_437 = tpu.memref_slice %arg5[%add3A_334, %dma_wait3A_436] : memref<200x128xi32, #tpu.memory_space<vmem>> -> memref<1x128xi32, #tpu.memory_space<vmem>>
      %dma_wait3A_438 = tpu.memref_squeeze %dma_wait3A_437 : memref<1x128xi32, #tpu.memory_space<vmem>> -> memref<128xi32, #tpu.memory_space<vmem>>
      %dma_wait3A_439 = arith.constant 0 : i32
      %dma_wait3A_440 = arith.constant 0 : i32
      %dma_wait3A_441 = tpu.memref_slice %arg3[%dma_wait3A_439, %dma_wait3A_440] : memref<1000000x32xf32, #tpu.memory_space<hbm>> -> memref<1000000x32xf32, #tpu.memory_space<hbm>>
      tpu.wait_indirect_dma semaphore(%arg8 : memref<!tpu.dma_semaphore, #tpu.memory_space<semaphore_mem>>) src(%dma_wait3A_441 : memref<1000000x32xf32, #tpu.memory_space<hbm>>) dst(%dma_wait3A_435 : memref<128x32xf32, #tpu.memory_space<vmem>>)
      %dma_wait3A_442 = arith.constant 1024 : i32
      %dma_wait3A_443 = arith.constant 0 : i32
      %dma_wait3A_444 = tpu.memref_slice %arg7[%dma_wait3A_442, %dma_wait3A_443] : memref<1280x32xf32, #tpu.memory_space<vmem>> -> memref<128x32xf32, #tpu.memory_space<vmem>>
      %dma_wait3A_445 = arith.constant 0 : i32
      %dma_wait3A_446 = tpu.memref_slice %arg5[%add3A_347, %dma_wait3A_445] : memref<200x128xi32, #tpu.memory_space<vmem>> -> memref<1x128xi32, #tpu.memory_space<vmem>>
      %dma_wait3A_447 = tpu.memref_squeeze %dma_wait3A_446 : memref<1x128xi32, #tpu.memory_space<vmem>> -> memref<128xi32, #tpu.memory_space<vmem>>
      %dma_wait3A_448 = arith.constant 0 : i32
      %dma_wait3A_449 = arith.constant 0 : i32
      %dma_wait3A_450 = tpu.memref_slice %arg3[%dma_wait3A_448, %dma_wait3A_449] : memref<1000000x32xf32, #tpu.memory_space<hbm>> -> memref<1000000x32xf32, #tpu.memory_space<hbm>>
      tpu.wait_indirect_dma semaphore(%arg8 : memref<!tpu.dma_semaphore, #tpu.memory_space<semaphore_mem>>) src(%dma_wait3A_450 : memref<1000000x32xf32, #tpu.memory_space<hbm>>) dst(%dma_wait3A_444 : memref<128x32xf32, #tpu.memory_space<vmem>>)
      %dma_wait3A_451 = arith.constant 1152 : i32
      %dma_wait3A_452 = arith.constant 0 : i32
      %dma_wait3A_453 = tpu.memref_slice %arg7[%dma_wait3A_451, %dma_wait3A_452] : memref<1280x32xf32, #tpu.memory_space<vmem>> -> memref<128x32xf32, #tpu.memory_space<vmem>>
      %dma_wait3A_454 = arith.constant 0 : i32
      %dma_wait3A_455 = tpu.memref_slice %arg5[%add3A_360, %dma_wait3A_454] : memref<200x128xi32, #tpu.memory_space<vmem>> -> memref<1x128xi32, #tpu.memory_space<vmem>>
      %dma_wait3A_456 = tpu.memref_squeeze %dma_wait3A_455 : memref<1x128xi32, #tpu.memory_space<vmem>> -> memref<128xi32, #tpu.memory_space<vmem>>
      %dma_wait3A_457 = arith.constant 0 : i32
      %dma_wait3A_458 = arith.constant 0 : i32
      %dma_wait3A_459 = tpu.memref_slice %arg3[%dma_wait3A_457, %dma_wait3A_458] : memref<1000000x32xf32, #tpu.memory_space<hbm>> -> memref<1000000x32xf32, #tpu.memory_space<hbm>>
      tpu.wait_indirect_dma semaphore(%arg8 : memref<!tpu.dma_semaphore, #tpu.memory_space<semaphore_mem>>) src(%dma_wait3A_459 : memref<1000000x32xf32, #tpu.memory_space<hbm>>) dst(%dma_wait3A_453 : memref<128x32xf32, #tpu.memory_space<vmem>>)
      %mul3A_460 = arith.constant 1280 : i32
      %mul3A_461 = arith.muli %add3A_14, %mul3A_460 : i32
      %add3A_462 = arith.addi %mul3A_4, %mul3A_461 : i32
      %dma_start3A_463 = arith.constant 0 : i32
      %dma_start3A_464 = tpu.memref_slice %arg4[%add3A_462, %dma_start3A_463] : memref<819200x32xf32, #tpu.memory_space<hbm>> -> memref<1280x32xf32, #tpu.memory_space<hbm>>
      %dma_start3A_465 = arith.constant 0 : i32
      %dma_start3A_466 = tpu.memref_slice %arg4[%add3A_462, %dma_start3A_465] : memref<819200x32xf32, #tpu.memory_space<hbm>> -> memref<1280x32xf32, #tpu.memory_space<hbm>>
      tpu.enqueue_dma source(%arg7 : memref<1280x32xf32, #tpu.memory_space<vmem>>) target(%dma_start3A_466 : memref<1280x32xf32, #tpu.memory_space<hbm>>) target_semaphore(%arg9 : memref<!tpu.dma_semaphore, #tpu.memory_space<semaphore_mem>>)
      %dma_wait3A_467 = arith.constant 0 : i32
      %dma_wait3A_468 = tpu.memref_slice %arg4[%add3A_235, %dma_wait3A_467] : memref<819200x32xf32, #tpu.memory_space<hbm>> -> memref<1280x32xf32, #tpu.memory_space<hbm>>
      %dma_wait3A_469 = arith.constant 0 : i32
      %dma_wait3A_470 = tpu.memref_slice %arg4[%add3A_235, %dma_wait3A_469] : memref<819200x32xf32, #tpu.memory_space<hbm>> -> memref<1280x32xf32, #tpu.memory_space<hbm>>
      tpu.wait_dma2 semaphore(%arg9 : memref<!tpu.dma_semaphore, #tpu.memory_space<semaphore_mem>>) src(%arg6 : memref<1280x32xf32, #tpu.memory_space<vmem>>) dst(%dma_wait3A_470 : memref<1280x32xf32, #tpu.memory_space<hbm>>)
      %dma_wait3A_471 = arith.constant 0 : i32
      %dma_wait3A_472 = tpu.memref_slice %arg4[%add3A_462, %dma_wait3A_471] : memref<819200x32xf32, #tpu.memory_space<hbm>> -> memref<1280x32xf32, #tpu.memory_space<hbm>>
      %dma_wait3A_473 = arith.constant 0 : i32
      %dma_wait3A_474 = tpu.memref_slice %arg4[%add3A_462, %dma_wait3A_473] : memref<819200x32xf32, #tpu.memory_space<hbm>> -> memref<1280x32xf32, #tpu.memory_space<hbm>>
      tpu.wait_dma2 semaphore(%arg9 : memref<!tpu.dma_semaphore, #tpu.memory_space<semaphore_mem>>) src(%arg7 : memref<1280x32xf32, #tpu.memory_space<vmem>>) dst(%dma_wait3A_474 : memref<1280x32xf32, #tpu.memory_space<hbm>>)
    }
    %scan3A_9 = arith.constant 10 : i32
    return
  }
}

</mosaic_0001>

<sc_bundles>
// kernel: kernel.3.cloned.1.call-start
scs
__scs_entry_jumppad:
0x0: {  	(pc) =	sbr.rel $0x88, $3  }
0x1: {  	(tag) =	ssettag $0x0;
	lr =	simm.s32 $0x1  }
0x2: {  	[smem:$0x3F9F] =	sst lr;
	_ =	strace $0xD0000000  }
0x3: {  	_ = 	snop  }
0x4: {  	_ = 	snop  }
0x5: {  	_ = 	snop  }
0x6: {  	_ = 	snop  }
0x7: {  	_ = 	snop  }
__scs_overlays_trampoline_lowered:
0x8: {  	[smem:$0x3FAE] =	sst s0  }
0x9: {  	[smem:$0x3FAF] =	sst s1  }
0xa: {  	[smem:$0x3FB0] =	sst s2  }
0xb: {  	[smem:$0x3FB1] =	sst s3  }
0xc: {  	[smem:$0x3FB2] =	sst s4  }
0xd: {  	[smem:$0x3FB3] =	sst s5  }
0xe: {  	[smem:$0x3FB4] =	sst s6  }
0xf: {  	[smem:$0x3FB5] =	sst s7  }
0x10: {  	[smem:$0x3FB6] =	sst s8  }
0x11: {  	[smem:$0x3FB7] =	sst s9;
	s0 =	simm.s32 @!p0 $0x0  }
0x12: {  	s1 =	sld [smem:$0x3F9D];
	s0 =	simm.s32 @p0 $0x1  }
0x13: {  	[smem:$0x3FB8] =	sst s0;
	s0 =	simm.s32 @!p1 $0x0  }
0x14: {  	s2 =	sld [smem:$0x3F9C];
	s0 =	simm.s32 @p1 $0x1  }
0x15: {  	[smem:$0x3FB9] =	sst s0;
	s0 =	simm.s32 @!p2 $0x0  }
0x16: {  	s3 =	sld [smem:$0x3FDB];
	s0 =	simm.s32 @p2 $0x1  }
0x17: {  	s4 =	simm.s32 $0x1BF5;
	[smem:$0x3FBB] =	sst s0  }
0x18: {  	s0 =	sld [smem:$0x3F9E];
	_ =	swait.ge [sflag:s4], $0x0  }
0x19: {  	s7 =	sld [smem:$0x3F9F]  }
0x1a: {  	s8 =	sadd.s32 $0xFFFFE003, lr  }
0x1b: {  	s9 =	sadd.s32 $0xFFFFFEF7, lr;
	s5 =	simm.s32 $0xFFFFFFFF;
	p2 =	slt.u32 s8, $0xFFFFF086  }
0x1c: {  	p1 =	slt.u32 s9, $0xF7A;
	s5 =	simm.s32 @!p2 $0x0  }
0x1d: {  	s5 =	simm.s32 @p1 $0x1;
	p0 =	seq.s32 s7, s2  }
0x1e: {  	s7 =	smul.u32 @!p0 $0xF7A, s2;
	p2 =	seq.s32 @!p0 s5, $0x0  }
0x1f: {  	s9 =	smul.u32 $0xF7A, s1;
	s8 =	simm.s32 @!p0 $0x1BF5;
	p2 =	por !p2, p0  }
0x20: {  	[sflag:s8] =	ssyncset.s32 @!p0 $0xFFFFF086;
	s6 =	sadd.s32 @!p0 s3, s7;
	s7 =	simm.s32 @!p0 $0x108  }
0x21: {  	s3 =	sadd.s32 s3, s9;
	s6 =	sadd.s32 @!p0 $0x88, s6;
	s7 =	simm.s32 @p2 $0x1082  }
0x22: {  	[simem:s7], [sflag:s8] =	dma.local @!p0 [hbm:s6], $0xF7A  }
0x23: {  	s9 =	sor.u32 $0xD0000000, s2;
	s6 =	simm.s32 $0x108;
	_ =	swait.ge @!p0 [sflag:s8], $0x0  }
0x24: {  	s3 =	sadd.s32 $0x88, s3;
	s6 =	simm.s32 @!p1 $0x1082;
	[sflag:s4] =	ssyncset.s32 $0xFFFFF086  }
0x25: {  	[simem:s6], [sflag:s4] =	dma.local [hbm:s3], $0xF7A  }
0x26: {  	[smem:$0x3F9F] =	sst s1;
	(tag) =	ssettag s2;
	_ =	strace s9  }
0x27: {  	s1 =	sld [smem:$0x3FAF]  }
0x28: {  	s2 =	sld [smem:$0x3FB0]  }
0x29: {  	s4 =	sld [smem:$0x3FB2]  }
0x2a: {  	p0 =	seq.s32 s5, $0x0;
	s5 =	sld [smem:$0x3FB3]  }
0x2b: {  	s6 =	sld [smem:$0x3FB4]  }
0x2c: {  	s7 =	sld [smem:$0x3FB5]  }
0x2d: {  	s3 =	simm.s32 $0x108;
	s8 =	sld [smem:$0x3FB6]  }
0x2e: {  	s3 =	simm.s32 @!p0 $0x1082;
	s9 =	sld [smem:$0x3FB7]  }
0x2f: {  	lr =	sadd.s32 s0, s3;
	s0 =	sld [smem:$0x3FAE]  }
0x30: {  	s3 =	sld [smem:$0x3FB1]  }
0x31: {  	[smem:$0x3FBA] =	sst s10  }
0x32: {  	s10 =	sld [smem:$0x3FB8];
	_ =	sdelay $0x3  }
0x33: {  	p0 =	seq.s32 s10, $0x1;
	s10 =	sld [smem:$0x3FBA];
	_ =	sdelay $0x3  }
0x34: {  	[smem:$0x3FBA] =	sst s10  }
0x35: {  	s10 =	sld [smem:$0x3FB9];
	_ =	sdelay $0x3  }
0x36: {  	p1 =	seq.s32 s10, $0x1;
	s10 =	sld [smem:$0x3FBA];
	_ =	sdelay $0x3  }
0x37: {  	[smem:$0x3FBA] =	sst s10  }
0x38: {  	s10 =	sld [smem:$0x3FBB]  }
0x39: {  	_ = 	snop;
	(pc) =	sbr.ind lr, $3  }
0x3a: {  	_ = 	snop  }
0x3b: {  	_ = 	snop  }
0x3c: {  	p2 =	seq.s32 s10, $0x1;
	s10 =	sld [smem:$0x3FBA]  }
0x3d: {  	_ =	shalt  }
0x3e: {  	_ =	shalt  }
0x3f: {  	_ =	shalt  }
0x40: {  	_ =	shalt  }
0x41: {  	_ =	shalt  }
0x42: {  	_ =	shalt  }
0x43: {  	_ =	shalt  }
0x44: {  	_ =	shalt  }
0x45: {  	_ =	shalt  }
0x46: {  	_ =	shalt  }
0x47: {  	_ =	shalt  }
0x48: {  	_ =	shalt  }
0x49: {  	_ =	shalt  }
0x4a: {  	_ =	shalt  }
0x4b: {  	_ =	shalt  }
0x4c: {  	_ =	shalt  }
0x4d: {  	_ =	shalt  }
0x4e: {  	_ =	shalt  }
0x4f: {  	_ =	shalt  }
0x50: {  	_ =	shalt  }
0x51: {  	_ =	shalt  }
0x52: {  	_ =	shalt  }
0x53: {  	_ =	shalt  }
0x54: {  	_ =	shalt  }
0x55: {  	_ =	shalt  }
0x56: {  	_ =	shalt  }
0x57: {  	_ =	shalt  }
0x58: {  	_ =	shalt  }
0x59: {  	_ =	shalt  }
0x5a: {  	_ =	shalt  }
0x5b: {  	_ =	shalt  }
0x5c: {  	_ =	shalt  }
0x5d: {  	_ =	shalt  }
0x5e: {  	_ =	shalt  }
0x5f: {  	_ =	shalt  }
0x60: {  	_ =	shalt  }
0x61: {  	_ =	shalt  }
0x62: {  	_ =	shalt  }
0x63: {  	_ =	shalt  }
0x64: {  	_ =	shalt  }
0x65: {  	_ =	shalt  }
0x66: {  	_ =	shalt  }
0x67: {  	_ =	shalt  }
0x68: {  	_ =	shalt  }
0x69: {  	_ =	shalt  }
0x6a: {  	_ =	shalt  }
0x6b: {  	_ =	shalt  }
0x6c: {  	_ =	shalt  }
0x6d: {  	_ =	shalt  }
0x6e: {  	_ =	shalt  }
0x6f: {  	_ =	shalt  }
0x70: {  	_ =	shalt  }
0x71: {  	_ =	shalt  }
0x72: {  	_ =	shalt  }
0x73: {  	_ =	shalt  }
0x74: {  	_ =	shalt  }
0x75: {  	_ =	shalt  }
0x76: {  	_ =	shalt  }
0x77: {  	_ =	shalt  }
0x78: {  	_ =	shalt  }
0x79: {  	_ =	shalt  }
0x7a: {  	_ =	shalt  }
0x7b: {  	_ =	shalt  }
0x7c: {  	_ =	shalt  }
0x7d: {  	_ =	shalt  }
0x7e: {  	_ =	shalt  }
0x7f: {  	_ =	shalt  }
0x80: {  	_ =	shalt  }
0x81: {  	_ =	shalt  }
0x82: {  	_ =	shalt  }
0x83: {  	_ =	shalt  }
0x84: {  	_ =	shalt  }
0x85: {  	_ =	shalt  }
0x86: {  	_ =	shalt  }
0x87: {  	_ =	shalt  }
.Lfunc_end0:
.L_simem_size_0:
called_computation.2_lowered:
.L_overlay_start_0:
0x88: {  	s2 =	sld [smem:$0x3FD9]  }
0x89: {  	s3 =	sld [smem:$0x3FFE];
	_ =	sdelay $0x1  }
0x8a: {  	s1 =	srdreg.scid  }
0x8b: {  	s0 =	sand.u32 $0x1, s1  }
0x8c: {  	s17 =	sshll.u32 s0, $0xA;
	s2 =	sadd.s32 s3, s2  }
0x8d: {  	s2 =	sadd.s32 s2, s17  }
0x8e: {  	[smem:$0x3FC6] =	sst s2  }
0x8f: {  	_ = 	snop  }
0x90: {  	s2 =	sld [smem:$0x3FD0];
	(tm) =	ssettm $0x1  }
0x91: {  	s18 =	sld [smem:$0x3FFB];
	_ =	sdelay $0x3  }
0x92: {  	_ =	strace s18  }
0x93: {  	s3 =	sld [smem:$0x3FFC];
	_ =	sdelay $0x3  }
0x94: {  	_ =	strace s3  }
0x95: {  	s3 =	sld [smem:$0x3FFD];
	_ =	sdelay $0x3  }
0x96: {  	_ =	strace s3  }
0x97: {  	_ =	strace $0x8FFFFFFF  }
0x98: {  	s19 =	sld [smem:$0x3FDB];
	_ =	sdelay $0x1  }
0x99: {  	s4 =	simm.s32 $_scs_section_size  }
0x9a: {  	s5 =	simm.s32 $_size__tile_overlayer_lowered;
	s6 =	simm.s32 $_tile_overlayer_lowered  }
0x9b: {  	s22 =	simm.s32 $0x1BFF;
	s21 =	sshll.u32 s6, $0x1;
	s3 =	sadd.s32 s4, s19  }
0x9c: {  	s7 =	simm.s32 $0x0;
	s20 =	sshll.u32 s5, $0x1;
	s5 =	sadd.s32 s21, s3  }
0x9d: {  	[timem:s7], [sflag:s22] =	dma.local [hbm:s5], s20  }
0x9e: {  	_ =	swait.ge [sflag:s22], s20  }
0x9f: {  	s4 =	ssub.s32 $0x0, s20;
	[sflag:s22] =	ssyncset.done $0x0  }
0xa0: {  	[sflag:s22] =	ssyncadd.s32 s4;
	_ =	sdelay $0x1  }
0xa1: {  	s23 =	simm.s32 $0x1B8B  }
0xa2: {  	_ =	swait.ge [sflag:s23], $0x1  }
0xa3: {  	[sflag:s23] =	ssyncset.done $0x0  }
0xa4: {  	s25 =	simm.s32 $0x1B8E;
	s24 =	sld [smem:$0x3FFE];
	[sflag:s23] =	ssyncadd.s32 $0xFFFFFFFF  }
0xa5: {  	s26 =	simm.s32 $execute0_lowered;
	[smem:$0x3FD2] =	sst s25  }
0xa6: {  	s5 =	sshll.u32 s26, $0x1;
	_ =	strace $0x80000046;
	[dreg:$0x1] =	wrdreg $0xFFFFFFFF  }
0xa7: {  	s28 =	simm.s32 $_size_execute0_lowered;
	s3 =	sadd.s32 s3, s5;
	[dreg:$0x0] =	wrdreg $0x0  }
0xa8: {  	s5 =	sshll.u32 s28, $0x1;
	[dreg:$0x2] =	wrdreg s3  }
0xa9: {  	[dreg:$0x3] =	wrdreg s5  }
0xaa: {  	[dreg:$0x4] =	wrdreg $0xC0  }
0xab: {  	_ =	task [dreg:s7], $0x5FFFF  }
0xac: {  	[dreg:$0x1] =	wrdreg $0xFFFFFFFF  }
0xad: {  	[dreg:$0x0] =	wrdreg $0x60  }
0xae: {  	[dreg:$0x2] =	wrdreg s24  }
0xaf: {  	[dreg:$0x3] =	wrdreg s2  }
0xb0: {  	[dreg:$0x4] =	wrdreg $0x9  }
0xb1: {  	_ =	task.clear_ibuf [dreg:s7], $0x5FFFF;
	_ =	strace $0x90000046  }
0xb2: {  	s29 =	simm.s32 $0x9;
	_ =	strace $0x80000048  }
0xb3: {  	_ =	swait.ge [sflag:s29], $0x1  }
0xb4: {  	[sflag:s29] =	ssyncadd.s32 $0xFFFFFFFF  }
0xb5: {  	_ =	strace $0x90000048  }
0xb6: {  	_ =	sfence  }
0xb7: {  	s30 =	sld [smem:$0x0];
	_ =	sdelay $0x2  }
0xb8: {  	s31 =	sshll.u32 s1, $0xD;
	s1 =	sshrl.u32 s1, $0x2  }
0xb9: {  	s3 =	sand.u32 $0x4000, s31;
	s1 =	sadd.s32 s1, s30  }
0xba: {  	s0 =	sor.u32 s3, s0;
	s1 =	sshll.u32 s1, $0x11  }
0xbb: {  	s0 =	sor.u32 s1, s0  }
0xbc: {  	s0 =	sadd.s32 $0x8F2B, s0  }
0xbd: {  	[sflag:s0] =	ssyncadd.remote.s32 $0x1  }
0xbe: {  	_ =	sfence.sel $0xFFFF  }
0xbf: {  	[dreg:$0x0] =	wrdreg $0xFFFFFFFF;
	(pc) =	sbr.abs _section_cstart, $3  }
0xc0: {  	[dreg:$0x1] =	wrdreg $0xFFFFFFFF  }
0xc1: {  	_ =	task.clear_ibuf [dreg:s7], $0x2FFFF;
	_ =	strace $0x9FFFFFFF  }
0xc2: {  	(tm) =	ssettm $0x7FFFFFFF  }
0xc3: {  	_ =	shalt  }
tec
execute0_lowered:
.L_overlay_start_1:
0x0: {  	(tag) =	ssettag $0x1  }
0x1: {  	s3 =	rddreg [dreg:$0x0]  }
0x2: {  	s1 =	srdreg.scid;
	s6 =	rddreg [dreg:$0x1]  }
0x3: {  	s2 =	simm.s32 $0x0;
	s4 =	sand.u32 $0x1, s1;
	s1 =	rddreg [dreg:$0x2]  }
0x4: {  	s17 =	simm.s32 $0x7400;
	[smem:$0x7FF] =	sst s2  }
0x5: {  	s18 =	simm.s32 $0x8400;
	_ =	strace $0x80000047;
	[dreg:$0x5] =	wrdreg s17  }
0x6: {  	s19 =	simm.s32 $0x9400;
	[dreg:$0x6] =	wrdreg s18  }
0x7: {  	s20 =	simm.s32 $0xA400;
	[dreg:$0x7] =	wrdreg s19  }
0x8: {  	s21 =	simm.s32 $0xB400;
	[dreg:$0x8] =	wrdreg s20  }
0x9: {  	s22 =	simm.s32 $0xC400;
	[dreg:$0x9] =	wrdreg s21  }
0xa: {  	s0 =	stileid.u32;
	s23 =	simm.s32 $0xD400;
	[dreg:$0xa] =	wrdreg s22  }
0xb: {  	s25 =	simm.s32 $0xE400;
	s26 =	simm.s32 $0xF400;
	[dreg:$0xb] =	wrdreg s23  }
0xc: {  	s28 =	simm.s32 $0x11400;
	s29 =	simm.s32 $0x12400;
	[dreg:$0xc] =	wrdreg s25  }
0xd: {  	s30 =	simm.s32 $0x13400;
	s31 =	simm.s32 $0x14400;
	[dreg:$0xd] =	wrdreg s26  }
0xe: {  	s11 =	simm.s32 $0x15400;
	s10 =	simm.s32 $0x10400;
	[dreg:$0xe] =	wrdreg s28  }
0xf: {  	s12 =	simm.s32 $0x17400;
	s5 =	smul.u32 $0xC800, s0;
	[dreg:$0xf] =	wrdreg s29  }
0x10: {  	s13 =	simm.s32 $0x18400;
	s8 =	smul.u32 $0x32000, s0;
	[dreg:$0x10] =	wrdreg s30  }
0x11: {  	s14 =	simm.s32 $0x19400;
	s7 =	smul.u32 $0x6400, s4;
	[dreg:$0x11] =	wrdreg s31  }
0x12: {  	s16 =	sshll.u32 s0, $0x1;
	s9 =	smul.u32 $0x19000, s4;
	[dreg:$0x12] =	wrdreg s11  }
0x13: {  	s11 =	simm.s32 $0x16400;
	s15 =	sadd.s32 s8, s6;
	s8 =	simm.s32 $0x6400  }
0x14: {  	s5 =	sadd.s32 s7, s5;
	s7 =	sadd.s32 s9, s15;
	s9 =	simm.s32 $0x1  }
0x15: {  	s15 =	simm.s32 $0x2;
	s5 =	sshll.u32 s5, $0x2;
	[dreg:$0x3] =	wrdreg s7  }
0x16: {  	s5 =	sadd.s32 s6, s5;
	s6 =	sor.u32 s4, s16;
	s4 =	ssub.s32 $0x2, s4  }
0x17: {  	s5 =	sadd.s32 $0x1400, s5;
	s6 =	smul.u32 $0xC80, s6;
	s24 =	sshrl.u32 s4, $0x1  }
0x18: {  	s16 =	simm.s32 $0x0;
	[dreg:$0x4] =	wrdreg s5;
	s7 =	ssub.s32 s4, s24  }
0x19: {  	s6 =	sadd.s32 s6, s3;
	s3 =	sadd.s32 $0xF43200, s3;
	s5 =	smax.u32 s7, $0x1  }
0x1a: {  	s7 =	simm.s32 $0x80;
	s4 =	sadd.s32 $0xE00, s6;
	s6 =	simm.s32 $0x3  }
.LBB2_1:
0x1b: {  	[tilespmem:s2], [sflag:$0x3] =	stream.linear.gather [hbm4b:s4+s2], $0x6400, $0x38;
	[tilespmem:$0x1A400] =	vst v63  }
0x1c: {  	_ =	swait.ge [sflag:s6], $0x6400  }
0x1d: {  	[sflag:s6] =	ssyncset.done $0x0  }
0x1e: {  	s17 =	simm.s32 $0x0;
	[sflag:s6] =	ssyncadd.s32 $0xFFFF9C00  }
0x1f: {  	[tilespmem:s8], [sflag:$0x1] =	stream.indirect.gather [hbm4b:s3+s7], $0x20, s17, s7, $0xb8;
	[tilespmem:$0x1A400] =	vst v63  }
0x20: {  	s20 =	simm.s32 $0x80;
	s18 =	rddreg [dreg:$0x5]  }
0x21: {  	[tilespmem:s18], [sflag:$0x1] =	stream.indirect.gather [hbm4b:s3+s7], $0x20, s20, s7, $0xb8;
	[tilespmem:$0x1A400] =	vst v63  }
0x22: {  	s21 =	simm.s32 $0x100;
	s19 =	rddreg [dreg:$0x6]  }
0x23: {  	[tilespmem:s19], [sflag:$0x1] =	stream.indirect.gather [hbm4b:s3+s7], $0x20, s21, s7, $0xb8;
	[tilespmem:$0x1A400] =	vst v63  }
0x24: {  	s23 =	simm.s32 $0x180;
	s22 =	rddreg [dreg:$0x7]  }
0x25: {  	[tilespmem:s22], [sflag:$0x1] =	stream.indirect.gather [hbm4b:s3+s7], $0x20, s23, s7, $0xb8;
	[tilespmem:$0x1A400] =	vst v63  }
0x26: {  	s25 =	simm.s32 $0x200;
	s24 =	rddreg [dreg:$0x8]  }
0x27: {  	[tilespmem:s24], [sflag:$0x1] =	stream.indirect.gather [hbm4b:s3+s7], $0x20, s25, s7, $0xb8;
	[tilespmem:$0x1A400] =	vst v63  }
0x28: {  	s28 =	simm.s32 $0x280;
	s26 =	rddreg [dreg:$0x9]  }
0x29: {  	[tilespmem:s26], [sflag:$0x1] =	stream.indirect.gather [hbm4b:s3+s7], $0x20, s28, s7, $0xb8;
	[tilespmem:$0x1A400] =	vst v63  }
0x2a: {  	s30 =	simm.s32 $0x300;
	s29 =	rddreg [dreg:$0xa]  }
0x2b: {  	[tilespmem:s29], [sflag:$0x1] =	stream.indirect.gather [hbm4b:s3+s7], $0x20, s30, s7, $0xb8;
	[tilespmem:$0x1A400] =	vst v63  }
0x2c: {  	s31 =	rddreg [dreg:$0xb];
	s20 =	simm.s32 $0x380  }
0x2d: {  	[tilespmem:s31], [sflag:$0x1] =	stream.indirect.gather [hbm4b:s3+s7], $0x20, s20, s7, $0xb8;
	[tilespmem:$0x1A400] =	vst v63  }
0x2e: {  	s21 =	rddreg [dreg:$0xc];
	s22 =	simm.s32 $0x400  }
0x2f: {  	[tilespmem:s21], [sflag:$0x1] =	stream.indirect.gather [hbm4b:s3+s7], $0x20, s22, s7, $0xb8;
	[tilespmem:$0x1A400] =	vst v63  }
0x30: {  	s23 =	rddreg [dreg:$0xd];
	s24 =	simm.s32 $0x480  }
0x31: {  	[tilespmem:s23], [sflag:$0x1] =	stream.indirect.gather [hbm4b:s3+s7], $0x20, s24, s7, $0xb8;
	[tilespmem:$0x1A400] =	vst v63  }
0x32: {  	_ =	swait.ge [sflag:s9], $0x1000  }
0x33: {  	[sflag:s9] =	ssyncset.done $0x0  }
0x34: {  	[sflag:s9] =	ssyncadd.s32 $0xFFFFF000  }
0x35: {  	_ =	swait.ge [sflag:s9], $0x1000  }
0x36: {  	[sflag:s9] =	ssyncset.done $0x0  }
0x37: {  	[sflag:s9] =	ssyncadd.s32 $0xFFFFF000  }
0x38: {  	_ =	swait.ge [sflag:s9], $0x1000  }
0x39: {  	[sflag:s9] =	ssyncset.done $0x0  }
0x3a: {  	[sflag:s9] =	ssyncadd.s32 $0xFFFFF000  }
0x3b: {  	_ =	swait.ge [sflag:s9], $0x1000  }
0x3c: {  	[sflag:s9] =	ssyncset.done $0x0  }
0x3d: {  	[sflag:s9] =	ssyncadd.s32 $0xFFFFF000  }
0x3e: {  	_ =	swait.ge [sflag:s9], $0x1000  }
0x3f: {  	[sflag:s9] =	ssyncset.done $0x0  }
0x40: {  	[sflag:s9] =	ssyncadd.s32 $0xFFFFF000  }
0x41: {  	_ =	swait.ge [sflag:s9], $0x1000  }
0x42: {  	[sflag:s9] =	ssyncset.done $0x0  }
0x43: {  	[sflag:s9] =	ssyncadd.s32 $0xFFFFF000  }
0x44: {  	_ =	swait.ge [sflag:s9], $0x1000  }
0x45: {  	[sflag:s9] =	ssyncset.done $0x0  }
0x46: {  	[sflag:s9] =	ssyncadd.s32 $0xFFFFF000  }
0x47: {  	_ =	swait.ge [sflag:s9], $0x1000  }
0x48: {  	[sflag:s9] =	ssyncset.done $0x0  }
0x49: {  	[sflag:s9] =	ssyncadd.s32 $0xFFFFF000  }
0x4a: {  	_ =	swait.ge [sflag:s9], $0x1000  }
0x4b: {  	[sflag:s9] =	ssyncset.done $0x0  }
0x4c: {  	[sflag:s9] =	ssyncadd.s32 $0xFFFFF000  }
0x4d: {  	_ =	swait.ge [sflag:s9], $0x1000  }
0x4e: {  	s25 =	rddreg [dreg:$0x3];
	[sflag:s9] =	ssyncset.done $0x0  }
0x4f: {  	[sflag:s9] =	ssyncadd.s32 $0xFFFFF000;
	s17 =	sadd.s32 $0x0, s25  }
0x50: {  	[hbm4b:s17+s2] =	stream.linear.scatter [tilespmem:s8], [sflag:$0x2], $0xA000, $0x38;
	[tilespmem:$0x1A400] =	vst v63  }
0x51: {  	s26 =	simm.s32 $0x500  }
0x52: {  	[tilespmem:s10], [sflag:$0x1] =	stream.indirect.gather [hbm4b:s3+s7], $0x20, s26, s7, $0xb8;
	[tilespmem:$0x1A400] =	vst v63  }
0x53: {  	s29 =	simm.s32 $0x580;
	s28 =	rddreg [dreg:$0xe]  }
0x54: {  	[tilespmem:s28], [sflag:$0x1] =	stream.indirect.gather [hbm4b:s3+s7], $0x20, s29, s7, $0xb8;
	[tilespmem:$0x1A400] =	vst v63  }
0x55: {  	s20 =	simm.s32 $0x600;
	s30 =	rddreg [dreg:$0xf]  }
0x56: {  	[tilespmem:s30], [sflag:$0x1] =	stream.indirect.gather [hbm4b:s3+s7], $0x20, s20, s7, $0xb8;
	[tilespmem:$0x1A400] =	vst v63  }
0x57: {  	s22 =	simm.s32 $0x680;
	s31 =	rddreg [dreg:$0x10]  }
0x58: {  	[tilespmem:s31], [sflag:$0x1] =	stream.indirect.gather [hbm4b:s3+s7], $0x20, s22, s7, $0xb8;
	[tilespmem:$0x1A400] =	vst v63  }
0x59: {  	s23 =	simm.s32 $0x700;
	s21 =	rddreg [dreg:$0x11]  }
0x5a: {  	[tilespmem:s21], [sflag:$0x1] =	stream.indirect.gather [hbm4b:s3+s7], $0x20, s23, s7, $0xb8;
	[tilespmem:$0x1A400] =	vst v63  }
0x5b: {  	s24 =	rddreg [dreg:$0x12];
	s25 =	simm.s32 $0x780  }
0x5c: {  	[tilespmem:s24], [sflag:$0x1] =	stream.indirect.gather [hbm4b:s3+s7], $0x20, s25, s7, $0xb8;
	[tilespmem:$0x1A400] =	vst v63  }
0x5d: {  	s26 =	simm.s32 $0x800  }
0x5e: {  	[tilespmem:s11], [sflag:$0x1] =	stream.indirect.gather [hbm4b:s3+s7], $0x20, s26, s7, $0xb8;
	[tilespmem:$0x1A400] =	vst v63  }
0x5f: {  	s28 =	simm.s32 $0x880  }
0x60: {  	[tilespmem:s12], [sflag:$0x1] =	stream.indirect.gather [hbm4b:s3+s7], $0x20, s28, s7, $0xb8;
	[tilespmem:$0x1A400] =	vst v63  }
0x61: {  	s29 =	simm.s32 $0x900  }
0x62: {  	[tilespmem:s13], [sflag:$0x1] =	stream.indirect.gather [hbm4b:s3+s7], $0x20, s29, s7, $0xb8;
	[tilespmem:$0x1A400] =	vst v63  }
0x63: {  	s30 =	simm.s32 $0x980  }
0x64: {  	[tilespmem:s14], [sflag:$0x1] =	stream.indirect.gather [hbm4b:s3+s7], $0x20, s30, s7, $0xb8;
	[tilespmem:$0x1A400] =	vst v63  }
0x65: {  	_ =	swait.ge [sflag:s9], $0x1000  }
0x66: {  	[sflag:s9] =	ssyncset.done $0x0  }
0x67: {  	[sflag:s9] =	ssyncadd.s32 $0xFFFFF000  }
0x68: {  	_ =	swait.ge [sflag:s9], $0x1000  }
0x69: {  	[sflag:s9] =	ssyncset.done $0x0  }
0x6a: {  	[sflag:s9] =	ssyncadd.s32 $0xFFFFF000  }
0x6b: {  	_ =	swait.ge [sflag:s9], $0x1000  }
0x6c: {  	[sflag:s9] =	ssyncset.done $0x0  }
0x6d: {  	[sflag:s9] =	ssyncadd.s32 $0xFFFFF000  }
0x6e: {  	_ =	swait.ge [sflag:s9], $0x1000  }
0x6f: {  	[sflag:s9] =	ssyncset.done $0x0  }
0x70: {  	[sflag:s9] =	ssyncadd.s32 $0xFFFFF000  }
0x71: {  	_ =	swait.ge [sflag:s9], $0x1000  }
0x72: {  	[sflag:s9] =	ssyncset.done $0x0  }
0x73: {  	[sflag:s9] =	ssyncadd.s32 $0xFFFFF000  }
0x74: {  	_ =	swait.ge [sflag:s9], $0x1000  }
0x75: {  	[sflag:s9] =	ssyncset.done $0x0  }
0x76: {  	[sflag:s9] =	ssyncadd.s32 $0xFFFFF000  }
0x77: {  	_ =	swait.ge [sflag:s9], $0x1000  }
0x78: {  	[sflag:s9] =	ssyncset.done $0x0  }
0x79: {  	[sflag:s9] =	ssyncadd.s32 $0xFFFFF000  }
0x7a: {  	_ =	swait.ge [sflag:s9], $0x1000  }
0x7b: {  	[sflag:s9] =	ssyncset.done $0x0  }
0x7c: {  	[sflag:s9] =	ssyncadd.s32 $0xFFFFF000  }
0x7d: {  	_ =	swait.ge [sflag:s9], $0x1000  }
0x7e: {  	[sflag:s9] =	ssyncset.done $0x0  }
0x7f: {  	[sflag:s9] =	ssyncadd.s32 $0xFFFFF000  }
0x80: {  	_ =	swait.ge [sflag:s9], $0x1000  }
0x81: {  	s31 =	rddreg [dreg:$0x4];
	[sflag:s9] =	ssyncset.done $0x0  }
0x82: {  	[sflag:s9] =	ssyncadd.s32 $0xFFFFF000;
	s17 =	sadd.s32 $0x0, s31  }
0x83: {  	[hbm4b:s17+s2] =	stream.linear.scatter [tilespmem:s10], [sflag:$0x2], $0xA000, $0x38;
	[tilespmem:$0x1A400] =	vst v63  }
0x84: {  	_ =	swait.ge [sflag:s15], $0xA000  }
0x85: {  	[sflag:s15] =	ssyncset.done $0x0  }
0x86: {  	[sflag:s15] =	ssyncadd.s32 $0xFFFF6000  }
0x87: {  	_ =	swait.ge [sflag:s15], $0xA000  }
0x88: {  	s21 =	simm.s32 $0x5000;
	s17 =	simm.s32 $0x2800;
	[sflag:s15] =	ssyncset.done $0x0  }
.LBB2_2:
0x89: {  	s20 =	sshra.s32 s17, $0x2;
	[sflag:s15] =	ssyncadd.s32 $0xFFFF6000  }
0x8a: {  	[tilespmem:s8], [sflag:$0x1] =	stream.indirect.gather [hbm4b:s3+s7], $0x20, s20, s7, $0xb8;
	[tilespmem:$0x1A400] =	vst v63  }
0x8b: {  	s22 =	rddreg [dreg:$0x5];
	s23 =	sadd.s32 $0x80, s20  }
0x8c: {  	[tilespmem:s22], [sflag:$0x1] =	stream.indirect.gather [hbm4b:s3+s7], $0x20, s23, s7, $0xb8;
	[tilespmem:$0x1A400] =	vst v63  }
0x8d: {  	s24 =	rddreg [dreg:$0x6];
	s25 =	sadd.s32 $0x100, s20  }
0x8e: {  	[tilespmem:s24], [sflag:$0x1] =	stream.indirect.gather [hbm4b:s3+s7], $0x20, s25, s7, $0xb8;
	[tilespmem:$0x1A400] =	vst v63  }
0x8f: {  	s26 =	rddreg [dreg:$0x7];
	s28 =	sadd.s32 $0x180, s20  }
0x90: {  	[tilespmem:s26], [sflag:$0x1] =	stream.indirect.gather [hbm4b:s3+s7], $0x20, s28, s7, $0xb8;
	[tilespmem:$0x1A400] =	vst v63  }
0x91: {  	s29 =	rddreg [dreg:$0x8];
	s30 =	sadd.s32 $0x200, s20  }
0x92: {  	[tilespmem:s29], [sflag:$0x1] =	stream.indirect.gather [hbm4b:s3+s7], $0x20, s30, s7, $0xb8;
	[tilespmem:$0x1A400] =	vst v63  }
0x93: {  	s31 =	rddreg [dreg:$0x9];
	s23 =	sadd.s32 $0x280, s20  }
0x94: {  	[tilespmem:s31], [sflag:$0x1] =	stream.indirect.gather [hbm4b:s3+s7], $0x20, s23, s7, $0xb8;
	[tilespmem:$0x1A400] =	vst v63  }
0x95: {  	s24 =	rddreg [dreg:$0xa];
	s25 =	sadd.s32 $0x300, s20  }
0x96: {  	[tilespmem:s24], [sflag:$0x1] =	stream.indirect.gather [hbm4b:s3+s7], $0x20, s25, s7, $0xb8;
	[tilespmem:$0x1A400] =	vst v63  }
0x97: {  	s26 =	rddreg [dreg:$0xb];
	s28 =	sadd.s32 $0x380, s20  }
0x98: {  	[tilespmem:s26], [sflag:$0x1] =	stream.indirect.gather [hbm4b:s3+s7], $0x20, s28, s7, $0xb8;
	[tilespmem:$0x1A400] =	vst v63  }
0x99: {  	s29 =	rddreg [dreg:$0xc];
	s30 =	sadd.s32 $0x400, s20  }
0x9a: {  	[tilespmem:s29], [sflag:$0x1] =	stream.indirect.gather [hbm4b:s3+s7], $0x20, s30, s7, $0xb8;
	[tilespmem:$0x1A400] =	vst v63  }
0x9b: {  	s31 =	rddreg [dreg:$0xd];
	s24 =	sadd.s32 $0x480, s20  }
0x9c: {  	[tilespmem:s31], [sflag:$0x1] =	stream.indirect.gather [hbm4b:s3+s7], $0x20, s24, s7, $0xb8;
	[tilespmem:$0x1A400] =	vst v63  }
0x9d: {  	_ =	swait.ge [sflag:s9], $0x1000  }
0x9e: {  	[sflag:s9] =	ssyncset.done $0x0  }
0x9f: {  	[sflag:s9] =	ssyncadd.s32 $0xFFFFF000  }
0xa0: {  	_ =	swait.ge [sflag:s9], $0x1000  }
0xa1: {  	[sflag:s9] =	ssyncset.done $0x0  }
0xa2: {  	[sflag:s9] =	ssyncadd.s32 $0xFFFFF000  }
0xa3: {  	_ =	swait.ge [sflag:s9], $0x1000  }
0xa4: {  	[sflag:s9] =	ssyncset.done $0x0  }
0xa5: {  	[sflag:s9] =	ssyncadd.s32 $0xFFFFF000  }
0xa6: {  	_ =	swait.ge [sflag:s9], $0x1000  }
0xa7: {  	[sflag:s9] =	ssyncset.done $0x0  }
0xa8: {  	[sflag:s9] =	ssyncadd.s32 $0xFFFFF000  }
0xa9: {  	_ =	swait.ge [sflag:s9], $0x1000  }
0xaa: {  	[sflag:s9] =	ssyncset.done $0x0  }
0xab: {  	[sflag:s9] =	ssyncadd.s32 $0xFFFFF000  }
0xac: {  	_ =	swait.ge [sflag:s9], $0x1000  }
0xad: {  	[sflag:s9] =	ssyncset.done $0x0  }
0xae: {  	[sflag:s9] =	ssyncadd.s32 $0xFFFFF000  }
0xaf: {  	_ =	swait.ge [sflag:s9], $0x1000  }
0xb0: {  	[sflag:s9] =	ssyncset.done $0x0  }
0xb1: {  	[sflag:s9] =	ssyncadd.s32 $0xFFFFF000  }
0xb2: {  	_ =	swait.ge [sflag:s9], $0x1000  }
0xb3: {  	[sflag:s9] =	ssyncset.done $0x0  }
0xb4: {  	[sflag:s9] =	ssyncadd.s32 $0xFFFFF000  }
0xb5: {  	_ =	swait.ge [sflag:s9], $0x1000  }
0xb6: {  	[sflag:s9] =	ssyncset.done $0x0  }
0xb7: {  	[sflag:s9] =	ssyncadd.s32 $0xFFFFF000  }
0xb8: {  	s19 =	smov.u32 s21;
	_ =	swait.ge [sflag:s9], $0x1000  }
0xb9: {  	s18 =	sadd.s32 $0x2800, s21;
	s25 =	rddreg [dreg:$0x3];
	[sflag:s9] =	ssyncset.done $0x0  }
0xba: {  	p0 =	sne.s32 s21, $0x16800;
	[sflag:s9] =	ssyncadd.s32 $0xFFFFF000;
	s21 =	sadd.s32 s17, s25  }
0xbb: {  	[hbm4b:s21+s2] =	stream.linear.scatter [tilespmem:s8], [sflag:$0x2], $0xA000, $0x38;
	[tilespmem:$0x1A400] =	vst v63  }
0xbc: {  	s26 =	sadd.s32 $0x500, s20  }
0xbd: {  	[tilespmem:s10], [sflag:$0x1] =	stream.indirect.gather [hbm4b:s3+s7], $0x20, s26, s7, $0xb8;
	[tilespmem:$0x1A400] =	vst v63  }
0xbe: {  	s29 =	sadd.s32 $0x580, s20;
	s28 =	rddreg [dreg:$0xe]  }
0xbf: {  	[tilespmem:s28], [sflag:$0x1] =	stream.indirect.gather [hbm4b:s3+s7], $0x20, s29, s7, $0xb8;
	[tilespmem:$0x1A400] =	vst v63  }
0xc0: {  	s30 =	sadd.s32 $0x600, s20;
	s25 =	rddreg [dreg:$0xf]  }
0xc1: {  	[tilespmem:s25], [sflag:$0x1] =	stream.indirect.gather [hbm4b:s3+s7], $0x20, s30, s7, $0xb8;
	[tilespmem:$0x1A400] =	vst v63  }
0xc2: {  	s31 =	sadd.s32 $0x680, s20;
	s22 =	rddreg [dreg:$0x10]  }
0xc3: {  	[tilespmem:s22], [sflag:$0x1] =	stream.indirect.gather [hbm4b:s3+s7], $0x20, s31, s7, $0xb8;
	[tilespmem:$0x1A400] =	vst v63  }
0xc4: {  	s24 =	sadd.s32 $0x700, s20;
	s23 =	rddreg [dreg:$0x11]  }
0xc5: {  	[tilespmem:s23], [sflag:$0x1] =	stream.indirect.gather [hbm4b:s3+s7], $0x20, s24, s7, $0xb8;
	[tilespmem:$0x1A400] =	vst v63  }
0xc6: {  	s26 =	sadd.s32 $0x780, s20;
	s25 =	rddreg [dreg:$0x12]  }
0xc7: {  	[tilespmem:s25], [sflag:$0x1] =	stream.indirect.gather [hbm4b:s3+s7], $0x20, s26, s7, $0xb8;
	[tilespmem:$0x1A400] =	vst v63  }
0xc8: {  	s28 =	sadd.s32 $0x800, s20  }
0xc9: {  	[tilespmem:s11], [sflag:$0x1] =	stream.indirect.gather [hbm4b:s3+s7], $0x20, s28, s7, $0xb8;
	[tilespmem:$0x1A400] =	vst v63  }
0xca: {  	s29 =	sadd.s32 $0x880, s20  }
0xcb: {  	[tilespmem:s12], [sflag:$0x1] =	stream.indirect.gather [hbm4b:s3+s7], $0x20, s29, s7, $0xb8;
	[tilespmem:$0x1A400] =	vst v63  }
0xcc: {  	s30 =	sadd.s32 $0x900, s20  }
0xcd: {  	[tilespmem:s13], [sflag:$0x1] =	stream.indirect.gather [hbm4b:s3+s7], $0x20, s30, s7, $0xb8;
	[tilespmem:$0x1A400] =	vst v63  }
0xce: {  	s20 =	sadd.s32 $0x980, s20  }
0xcf: {  	[tilespmem:s14], [sflag:$0x1] =	stream.indirect.gather [hbm4b:s3+s7], $0x20, s20, s7, $0xb8;
	[tilespmem:$0x1A400] =	vst v63  }
0xd0: {  	_ =	swait.ge [sflag:s9], $0x1000  }
0xd1: {  	[sflag:s9] =	ssyncset.done $0x0  }
0xd2: {  	[sflag:s9] =	ssyncadd.s32 $0xFFFFF000  }
0xd3: {  	_ =	swait.ge [sflag:s9], $0x1000  }
0xd4: {  	[sflag:s9] =	ssyncset.done $0x0  }
0xd5: {  	[sflag:s9] =	ssyncadd.s32 $0xFFFFF000  }
0xd6: {  	_ =	swait.ge [sflag:s9], $0x1000  }
0xd7: {  	[sflag:s9] =	ssyncset.done $0x0  }
0xd8: {  	[sflag:s9] =	ssyncadd.s32 $0xFFFFF000  }
0xd9: {  	_ =	swait.ge [sflag:s9], $0x1000  }
0xda: {  	[sflag:s9] =	ssyncset.done $0x0  }
0xdb: {  	[sflag:s9] =	ssyncadd.s32 $0xFFFFF000  }
0xdc: {  	_ =	swait.ge [sflag:s9], $0x1000  }
0xdd: {  	[sflag:s9] =	ssyncset.done $0x0  }
0xde: {  	[sflag:s9] =	ssyncadd.s32 $0xFFFFF000  }
0xdf: {  	_ =	swait.ge [sflag:s9], $0x1000  }
0xe0: {  	[sflag:s9] =	ssyncset.done $0x0  }
0xe1: {  	[sflag:s9] =	ssyncadd.s32 $0xFFFFF000  }
0xe2: {  	_ =	swait.ge [sflag:s9], $0x1000  }
0xe3: {  	[sflag:s9] =	ssyncset.done $0x0  }
0xe4: {  	[sflag:s9] =	ssyncadd.s32 $0xFFFFF000  }
0xe5: {  	_ =	swait.ge [sflag:s9], $0x1000  }
0xe6: {  	[sflag:s9] =	ssyncset.done $0x0  }
0xe7: {  	[sflag:s9] =	ssyncadd.s32 $0xFFFFF000  }
0xe8: {  	_ =	swait.ge [sflag:s9], $0x1000  }
0xe9: {  	[sflag:s9] =	ssyncset.done $0x0  }
0xea: {  	[sflag:s9] =	ssyncadd.s32 $0xFFFFF000  }
0xeb: {  	_ =	swait.ge [sflag:s9], $0x1000  }
0xec: {  	s31 =	rddreg [dreg:$0x4];
	[sflag:s9] =	ssyncset.done $0x0  }
0xed: {  	[sflag:s9] =	ssyncadd.s32 $0xFFFFF000;
	s20 =	sadd.s32 s17, s31  }
0xee: {  	[hbm4b:s20+s2] =	stream.linear.scatter [tilespmem:s10], [sflag:$0x2], $0xA000, $0x38;
	[tilespmem:$0x1A400] =	vst v63  }
.Ltmp0:
0xef: {  	_ =	swait.ge [sflag:s15], $0xA000;
	(pc) =	sbr.rel @p0 .LBB2_2-.Ltmp0, $4  }
0xf0: {  	[sflag:s15] =	ssyncset.done $0x0  }
0xf1: {  	[sflag:s15] =	ssyncadd.s32 $0xFFFF6000  }
0xf2: {  	_ =	swait.ge [sflag:s15], $0xA000  }
0xf3: {  	s21 =	smov.u32 s18;
	s17 =	smov.u32 s19;
	[sflag:s15] =	ssyncset.done $0x0  }
0xf4: {  	s18 =	sshra.s32 s17, $0x2;
	[sflag:s15] =	ssyncadd.s32 $0xFFFF6000  }
0xf5: {  	[tilespmem:s8], [sflag:$0x1] =	stream.indirect.gather [hbm4b:s3+s7], $0x20, s18, s7, $0xb8;
	[tilespmem:$0x1A400] =	vst v63  }
0xf6: {  	s19 =	rddreg [dreg:$0x5];
	s20 =	sadd.s32 $0x80, s18  }
0xf7: {  	[tilespmem:s19], [sflag:$0x1] =	stream.indirect.gather [hbm4b:s3+s7], $0x20, s20, s7, $0xb8;
	[tilespmem:$0x1A400] =	vst v63  }
0xf8: {  	s21 =	rddreg [dreg:$0x6];
	s28 =	sadd.s32 $0x100, s18  }
0xf9: {  	[tilespmem:s21], [sflag:$0x1] =	stream.indirect.gather [hbm4b:s3+s7], $0x20, s28, s7, $0xb8;
	[tilespmem:$0x1A400] =	vst v63  }
0xfa: {  	s29 =	rddreg [dreg:$0x7];
	s30 =	sadd.s32 $0x180, s18  }
0xfb: {  	[tilespmem:s29], [sflag:$0x1] =	stream.indirect.gather [hbm4b:s3+s7], $0x20, s30, s7, $0xb8;
	[tilespmem:$0x1A400] =	vst v63  }
0xfc: {  	s31 =	rddreg [dreg:$0x8];
	s20 =	sadd.s32 $0x200, s18  }
0xfd: {  	[tilespmem:s31], [sflag:$0x1] =	stream.indirect.gather [hbm4b:s3+s7], $0x20, s20, s7, $0xb8;
	[tilespmem:$0x1A400] =	vst v63  }
0xfe: {  	s22 =	rddreg [dreg:$0x9];
	s23 =	sadd.s32 $0x280, s18  }
0xff: {  	[tilespmem:s22], [sflag:$0x1] =	stream.indirect.gather [hbm4b:s3+s7], $0x20, s23, s7, $0xb8;
	[tilespmem:$0x1A400] =	vst v63  }
0x100: {  	s24 =	rddreg [dreg:$0xa];
	s25 =	sadd.s32 $0x300, s18  }
0x101: {  	[tilespmem:s24], [sflag:$0x1] =	stream.indirect.gather [hbm4b:s3+s7], $0x20, s25, s7, $0xb8;
	[tilespmem:$0x1A400] =	vst v63  }
0x102: {  	s26 =	rddreg [dreg:$0xb];
	s28 =	sadd.s32 $0x380, s18  }
0x103: {  	[tilespmem:s26], [sflag:$0x1] =	stream.indirect.gather [hbm4b:s3+s7], $0x20, s28, s7, $0xb8;
	[tilespmem:$0x1A400] =	vst v63  }
0x104: {  	s29 =	rddreg [dreg:$0xc];
	s30 =	sadd.s32 $0x400, s18  }
0x105: {  	[tilespmem:s29], [sflag:$0x1] =	stream.indirect.gather [hbm4b:s3+s7], $0x20, s30, s7, $0xb8;
	[tilespmem:$0x1A400] =	vst v63  }
0x106: {  	s31 =	rddreg [dreg:$0xd];
	s22 =	sadd.s32 $0x480, s18  }
0x107: {  	[tilespmem:s31], [sflag:$0x1] =	stream.indirect.gather [hbm4b:s3+s7], $0x20, s22, s7, $0xb8;
	[tilespmem:$0x1A400] =	vst v63  }
0x108: {  	_ =	swait.ge [sflag:s9], $0x1000  }
0x109: {  	[sflag:s9] =	ssyncset.done $0x0  }
0x10a: {  	[sflag:s9] =	ssyncadd.s32 $0xFFFFF000  }
0x10b: {  	_ =	swait.ge [sflag:s9], $0x1000  }
0x10c: {  	[sflag:s9] =	ssyncset.done $0x0  }
0x10d: {  	[sflag:s9] =	ssyncadd.s32 $0xFFFFF000  }
0x10e: {  	_ =	swait.ge [sflag:s9], $0x1000  }
0x10f: {  	[sflag:s9] =	ssyncset.done $0x0  }
0x110: {  	[sflag:s9] =	ssyncadd.s32 $0xFFFFF000  }
0x111: {  	_ =	swait.ge [sflag:s9], $0x1000  }
0x112: {  	[sflag:s9] =	ssyncset.done $0x0  }
0x113: {  	[sflag:s9] =	ssyncadd.s32 $0xFFFFF000  }
0x114: {  	_ =	swait.ge [sflag:s9], $0x1000  }
0x115: {  	[sflag:s9] =	ssyncset.done $0x0  }
0x116: {  	[sflag:s9] =	ssyncadd.s32 $0xFFFFF000  }
0x117: {  	_ =	swait.ge [sflag:s9], $0x1000  }
0x118: {  	[sflag:s9] =	ssyncset.done $0x0  }
0x119: {  	[sflag:s9] =	ssyncadd.s32 $0xFFFFF000  }
0x11a: {  	_ =	swait.ge [sflag:s9], $0x1000  }
0x11b: {  	[sflag:s9] =	ssyncset.done $0x0  }
0x11c: {  	[sflag:s9] =	ssyncadd.s32 $0xFFFFF000  }
0x11d: {  	_ =	swait.ge [sflag:s9], $0x1000  }
0x11e: {  	[sflag:s9] =	ssyncset.done $0x0  }
0x11f: {  	[sflag:s9] =	ssyncadd.s32 $0xFFFFF000  }
0x120: {  	_ =	swait.ge [sflag:s9], $0x1000  }
0x121: {  	[sflag:s9] =	ssyncset.done $0x0  }
0x122: {  	[sflag:s9] =	ssyncadd.s32 $0xFFFFF000  }
0x123: {  	_ =	swait.ge [sflag:s9], $0x1000  }
0x124: {  	s23 =	rddreg [dreg:$0x3];
	[sflag:s9] =	ssyncset.done $0x0  }
0x125: {  	[sflag:s9] =	ssyncadd.s32 $0xFFFFF000;
	s19 =	sadd.s32 s17, s23  }
0x126: {  	[hbm4b:s19+s2] =	stream.linear.scatter [tilespmem:s8], [sflag:$0x2], $0xA000, $0x38;
	[tilespmem:$0x1A400] =	vst v63  }
0x127: {  	s24 =	sadd.s32 $0x500, s18  }
0x128: {  	[tilespmem:s10], [sflag:$0x1] =	stream.indirect.gather [hbm4b:s3+s7], $0x20, s24, s7, $0xb8;
	[tilespmem:$0x1A400] =	vst v63  }
0x129: {  	s26 =	sadd.s32 $0x580, s18;
	s25 =	rddreg [dreg:$0xe]  }
0x12a: {  	[tilespmem:s25], [sflag:$0x1] =	stream.indirect.gather [hbm4b:s3+s7], $0x20, s26, s7, $0xb8;
	[tilespmem:$0x1A400] =	vst v63  }
0x12b: {  	s30 =	sadd.s32 $0x600, s18;
	s28 =	rddreg [dreg:$0xf]  }
0x12c: {  	[tilespmem:s28], [sflag:$0x1] =	stream.indirect.gather [hbm4b:s3+s7], $0x20, s30, s7, $0xb8;
	[tilespmem:$0x1A400] =	vst v63  }
0x12d: {  	s22 =	sadd.s32 $0x680, s18;
	s29 =	rddreg [dreg:$0x10]  }
0x12e: {  	[tilespmem:s29], [sflag:$0x1] =	stream.indirect.gather [hbm4b:s3+s7], $0x20, s22, s7, $0xb8;
	[tilespmem:$0x1A400] =	vst v63  }
0x12f: {  	s31 =	rddreg [dreg:$0x11];
	s23 =	sadd.s32 $0x700, s18  }
0x130: {  	[tilespmem:s31], [sflag:$0x1] =	stream.indirect.gather [hbm4b:s3+s7], $0x20, s23, s7, $0xb8;
	[tilespmem:$0x1A400] =	vst v63  }
0x131: {  	s24 =	rddreg [dreg:$0x12];
	s25 =	sadd.s32 $0x780, s18  }
0x132: {  	[tilespmem:s24], [sflag:$0x1] =	stream.indirect.gather [hbm4b:s3+s7], $0x20, s25, s7, $0xb8;
	[tilespmem:$0x1A400] =	vst v63  }
0x133: {  	s26 =	sadd.s32 $0x800, s18  }
0x134: {  	[tilespmem:s11], [sflag:$0x1] =	stream.indirect.gather [hbm4b:s3+s7], $0x20, s26, s7, $0xb8;
	[tilespmem:$0x1A400] =	vst v63  }
0x135: {  	s28 =	sadd.s32 $0x880, s18  }
0x136: {  	[tilespmem:s12], [sflag:$0x1] =	stream.indirect.gather [hbm4b:s3+s7], $0x20, s28, s7, $0xb8;
	[tilespmem:$0x1A400] =	vst v63  }
0x137: {  	s29 =	sadd.s32 $0x900, s18  }
0x138: {  	[tilespmem:s13], [sflag:$0x1] =	stream.indirect.gather [hbm4b:s3+s7], $0x20, s29, s7, $0xb8;
	[tilespmem:$0x1A400] =	vst v63  }
0x139: {  	s18 =	sadd.s32 $0x980, s18  }
0x13a: {  	[tilespmem:s14], [sflag:$0x1] =	stream.indirect.gather [hbm4b:s3+s7], $0x20, s18, s7, $0xb8;
	[tilespmem:$0x1A400] =	vst v63  }
0x13b: {  	_ =	swait.ge [sflag:s9], $0x1000  }
0x13c: {  	[sflag:s9] =	ssyncset.done $0x0  }
0x13d: {  	[sflag:s9] =	ssyncadd.s32 $0xFFFFF000  }
0x13e: {  	_ =	swait.ge [sflag:s9], $0x1000  }
0x13f: {  	[sflag:s9] =	ssyncset.done $0x0  }
0x140: {  	[sflag:s9] =	ssyncadd.s32 $0xFFFFF000  }
0x141: {  	_ =	swait.ge [sflag:s9], $0x1000  }
0x142: {  	[sflag:s9] =	ssyncset.done $0x0  }
0x143: {  	[sflag:s9] =	ssyncadd.s32 $0xFFFFF000  }
0x144: {  	_ =	swait.ge [sflag:s9], $0x1000  }
0x145: {  	[sflag:s9] =	ssyncset.done $0x0  }
0x146: {  	[sflag:s9] =	ssyncadd.s32 $0xFFFFF000  }
0x147: {  	_ =	swait.ge [sflag:s9], $0x1000  }
0x148: {  	[sflag:s9] =	ssyncset.done $0x0  }
0x149: {  	[sflag:s9] =	ssyncadd.s32 $0xFFFFF000  }
0x14a: {  	_ =	swait.ge [sflag:s9], $0x1000  }
0x14b: {  	[sflag:s9] =	ssyncset.done $0x0  }
0x14c: {  	[sflag:s9] =	ssyncadd.s32 $0xFFFFF000  }
0x14d: {  	_ =	swait.ge [sflag:s9], $0x1000  }
0x14e: {  	[sflag:s9] =	ssyncset.done $0x0  }
0x14f: {  	[sflag:s9] =	ssyncadd.s32 $0xFFFFF000  }
0x150: {  	_ =	swait.ge [sflag:s9], $0x1000  }
0x151: {  	[sflag:s9] =	ssyncset.done $0x0  }
0x152: {  	[sflag:s9] =	ssyncadd.s32 $0xFFFFF000  }
0x153: {  	_ =	swait.ge [sflag:s9], $0x1000  }
0x154: {  	[sflag:s9] =	ssyncset.done $0x0  }
0x155: {  	[sflag:s9] =	ssyncadd.s32 $0xFFFFF000  }
0x156: {  	_ =	swait.ge [sflag:s9], $0x1000  }
0x157: {  	s30 =	rddreg [dreg:$0x4];
	[sflag:s9] =	ssyncset.done $0x0  }
0x158: {  	s16 =	sadd.s32 $0x1, s16;
	[sflag:s9] =	ssyncadd.s32 $0xFFFFF000;
	s31 =	sadd.s32 s17, s30  }
0x159: {  	[hbm4b:s31+s2] =	stream.linear.scatter [tilespmem:s10], [sflag:$0x2], $0xA000, $0x38;
	[tilespmem:$0x1A400] =	vst v63  }
0x15a: {  	p0 =	sne.s32 s16, s5;
	_ =	swait.ge [sflag:s15], $0xA000  }
.Ltmp1:
0x15b: {  	[sflag:s15] =	ssyncset.done $0x0;
	(pc) =	sbr.rel @p0 .LBB2_1-.Ltmp1, $4  }
0x15c: {  	[sflag:s15] =	ssyncadd.s32 $0xFFFF6000  }
0x15d: {  	_ =	swait.ge [sflag:s15], $0xA000  }
0x15e: {  	[sflag:s15] =	ssyncset.done $0x0  }
0x15f: {  	[sflag:s15] =	ssyncadd.s32 $0xFFFF6000  }
0x160: {  	_ =	sfence.sel $0x180000  }
0x161: {  	[bflag:$0x0] =	sbarrier.arrive $0xFFFF  }
0x162: {  	p0 =	sne.s32 s0, $0x0;
	_ =	strace $0x90000047  }
0x163: {  	s0 =	sadd.s32 @!p0 $0x100000, s1;
	[bflag:$0x2] =	sbarrier.arrive $0xFFFF  }
0x164: {  	[sflag:s0] =	ssyncadd.tile.s32 @!p0 $0x1;
	_ =	shalt  }
.Lfunc_end2:
_tile_overlayer_lowered:
.L_overlay_start_2:
0x165: {  	(tag) =	ssettag $0x2  }
0x166: {  	s0 =	rddreg [dreg:$0x0];
	s2 =	stileid.u32  }
0x167: {  	s1 =	rddreg [dreg:$0x1];
	p0 =	sne.s32 s2, $0x0  }
0x168: {  	s3 =	rddreg [dreg:$0x2];
	[bflag:$0x3] =	sbarrier.arrive $0xFFFF;
	s2 =	simm.s32 @!p0 $0x1C03  }
0x169: {  	[timem:s3], [sflag:s2] =	dma.local @!p0 [hbm:s0], s1  }
0x16a: {  	s0 =	simm.s32 @!p0 $0x3  }
0x16b: {  	_ =	swait.ge @!p0 [sflag:s0], s1  }
0x16c: {  	s1 =	ssub.s32 @!p0 $0x0, s1;
	[sflag:s0] =	ssyncset.done @!p0 $0x0  }
0x16d: {  	[sflag:s0] =	ssyncadd.s32 @!p0 s1  }
0x16e: {  	[bflag:$0x3] =	sbarrier.arrive $0xFFFF  }
0x16f: {  	_ =	shalt  }

// kernel: sparse-core-data-format-call.1.cloned.1.call-start
scs
called_computation.1_lowered:
.L_overlay_start_0:
0x0: {  	s2 =	sld [smem:$0x3FD9]  }
0x1: {  	s3 =	sld [smem:$0x3FFE];
	_ =	sdelay $0x1  }
0x2: {  	s1 =	srdreg.scid  }
0x3: {  	s0 =	sand.u32 $0x1, s1  }
0x4: {  	s18 =	sshll.u32 s0, $0xA;
	s2 =	sadd.s32 s3, s2  }
0x5: {  	s2 =	sadd.s32 s2, s18  }
0x6: {  	[smem:$0x3FC6] =	sst s2  }
0x7: {  	_ = 	snop  }
0x8: {  	s2 =	sld [smem:$0x3FD0];
	(tm) =	ssettm $0x1  }
0x9: {  	s19 =	sld [smem:$0x3FFB];
	_ =	sdelay $0x3  }
0xa: {  	_ =	strace s19  }
0xb: {  	s3 =	sld [smem:$0x3FFC];
	_ =	sdelay $0x3  }
0xc: {  	_ =	strace s3  }
0xd: {  	s3 =	sld [smem:$0x3FFD];
	_ =	sdelay $0x3  }
0xe: {  	_ =	strace s3  }
0xf: {  	_ =	strace $0x8FFFFFFF  }
0x10: {  	s20 =	sld [smem:$0x3FDB];
	_ =	sdelay $0x1  }
0x11: {  	s4 =	simm.s32 $_scs_section_size  }
0x12: {  	s5 =	simm.s32 $_size__tile_overlayer_lowered;
	s6 =	simm.s32 $_tile_overlayer_lowered  }
0x13: {  	s23 =	simm.s32 $0x1BFF;
	s22 =	sshll.u32 s6, $0x1;
	s3 =	sadd.s32 s4, s20  }
0x14: {  	s7 =	simm.s32 $0x0;
	s21 =	sshll.u32 s5, $0x1;
	s5 =	sadd.s32 s22, s3  }
0x15: {  	[timem:s7], [sflag:s23] =	dma.local [hbm:s5], s21  }
0x16: {  	_ =	swait.ge [sflag:s23], s21  }
0x17: {  	s4 =	ssub.s32 $0x0, s21;
	[sflag:s23] =	ssyncset.done $0x0  }
0x18: {  	[sflag:s23] =	ssyncadd.s32 s4;
	_ =	sdelay $0x1  }
0x19: {  	s24 =	simm.s32 $0x1B8B  }
0x1a: {  	_ =	swait.ge [sflag:s24], $0x1  }
0x1b: {  	[sflag:s24] =	ssyncset.done $0x0  }
0x1c: {  	s26 =	simm.s32 $0x1B8E;
	s25 =	sld [smem:$0x3FFE];
	[sflag:s24] =	ssyncadd.s32 $0xFFFFFFFF  }
0x1d: {  	s27 =	simm.s32 $execute0_lowered;
	[smem:$0x3FD2] =	sst s26  }
0x1e: {  	s5 =	sshll.u32 s27, $0x1;
	_ =	strace $0x80000049;
	[dreg:$0x1] =	wrdreg $0xFFFFFFFF  }
0x1f: {  	s28 =	simm.s32 $_size_execute0_lowered;
	s3 =	sadd.s32 s3, s5;
	[dreg:$0x0] =	wrdreg $0x0  }
0x20: {  	s5 =	sshll.u32 s28, $0x1;
	[dreg:$0x2] =	wrdreg s3  }
0x21: {  	[dreg:$0x3] =	wrdreg s5  }
0x22: {  	[dreg:$0x4] =	wrdreg $0xC0  }
0x23: {  	_ =	task [dreg:s7], $0x5FFFF  }
0x24: {  	[dreg:$0x1] =	wrdreg $0xFFFFFFFF  }
0x25: {  	[dreg:$0x0] =	wrdreg $0x60  }
0x26: {  	[dreg:$0x2] =	wrdreg s25  }
0x27: {  	[dreg:$0x3] =	wrdreg s2  }
0x28: {  	[dreg:$0x4] =	wrdreg $0x9  }
0x29: {  	_ =	task.clear_ibuf [dreg:s7], $0x5FFFF;
	_ =	strace $0x90000049  }
0x2a: {  	s29 =	simm.s32 $0x9;
	_ =	strace $0x8000004B  }
0x2b: {  	_ =	swait.ge [sflag:s29], $0x1  }
0x2c: {  	[sflag:s29] =	ssyncadd.s32 $0xFFFFFFFF  }
0x2d: {  	_ =	strace $0x9000004B  }
0x2e: {  	_ =	sfence  }
0x2f: {  	s30 =	sld [smem:$0x0];
	_ =	sdelay $0x2  }
0x30: {  	s31 =	sshll.u32 s1, $0xD;
	s1 =	sshrl.u32 s1, $0x2  }
0x31: {  	s3 =	sand.u32 $0x4000, s31;
	s1 =	sadd.s32 s1, s30  }
0x32: {  	s0 =	sor.u32 s3, s0;
	s1 =	sshll.u32 s1, $0x11  }
0x33: {  	s0 =	sor.u32 s1, s0  }
0x34: {  	s0 =	sadd.s32 $0x8F2B, s0  }
0x35: {  	[sflag:s0] =	ssyncadd.remote.s32 $0x1  }
0x36: {  	_ =	sfence.sel $0xFFFF  }
0x37: {  	[dreg:$0x0] =	wrdreg $0xFFFFFFFF;
	(pc) =	sbr.abs _section_cstart, $3  }
0x38: {  	[dreg:$0x1] =	wrdreg $0xFFFFFFFF  }
0x39: {  	_ =	task.clear_ibuf [dreg:s7], $0x2FFFF;
	_ =	strace $0x9FFFFFFF  }
0x3a: {  	(tm) =	ssettm $0x7FFFFFFF  }
0x3b: {  	_ =	shalt  }
tec
execute0_lowered:
.L_overlay_start_1:
0x0: {  	(tag) =	ssettag $0x1  }
0x1: {  	s0 =	srdreg.scid  }
0x2: {  	s1 =	sshll.u32 s0, $0x4  }
0x3: {  	s4 =	rddreg [dreg:$0x0];
	s0 =	stileid.u32;
	s1 =	sand.u32 $0x10, s1  }
0x4: {  	s2 =	rddreg [dreg:$0x1];
	s7 =	simm.s32 $0x1;
	s1 =	sor.u32 s0, s1  }
0x5: {  	s8 =	simm.s32 $0x2;
	s11 =	simm.s32 $0x0;
	s3 =	sshll.u32 s1, $0x7  }
0x6: {  	s10 =	simm.s32 $0x0;
	s4 =	sadd.s32 $0xE00, s4;
	s6 =	ssub.s32 $0xC8000, s3  }
.Ltmp0:
0x7: {  	s1 =	rddreg [dreg:$0x2];
	s5 =	sand.u32 $0xF80, s6;
	(pc) =	sbr.rel .LBB1_1-.Ltmp0, $4  }
0x8: {  	_ =	strace $0x8000004A;
	s9 =	smov.u32 s3;
	p0 =	sne.s32 s5, $0x0  }
0x9: {  	s6 =	sshrl.u32 s6, $0xC;
	s5 =	simm.s32 $0x1;
	s7 =	simm.s32 @!p0 $0x0  }
0xa: {  	[sflag:s5] =	ssyncpa.u1 $0x0;
	p0 =	por $0x0, $0x0;
	s6 =	sadd.s32 s7, s6  }
0xb: {  	[sflag:s8] =	ssyncpa.u1 $0x0;
	s8 =	simm.s32 $0x640000;
	s7 =	sadd.s32 $0x1, s6  }
.LBB1_4:
0xc: {  	s14 =	sshll.u32 s11, $0x3  }
0xd: {  	s30 =	sand.u32 $0x7F, s11;
	s15 =	sand.u32 $0xFFFFFC00, s14  }
0xe: {  	s11 =	sor.u32 s30, s15  }
0xf: {  	s15 =	smulhi.u32 $0x51EB851F, s11  }
0x10: {  	s14 =	smulhi.u32 $0x51EB851F, s14  }
0x11: {  	s15 =	sshrl.u32 s15, $0x12  }
0x12: {  	s14 =	sshrl.u32 s14, $0x12;
	s15 =	smul.u32 $0xC8000, s15  }
0x13: {  	s14 =	sand.u32 $0x1F, s14  }
0x14: {  	s14 =	smul.u32 $0x19000, s14;
	s11 =	ssub.s32 s11, s15  }
0x15: {  	s15 =	sand.u32 $0x7, s11  }
0x16: {  	s14 =	sadd.s32 s2, s14;
	s11 =	sshrl.u32 s11, $0x3;
	s15 =	sshll.u32 s15, $0x12  }
0x17: {  	[tilespmem:s13+$0x0 ss:$0x81] =	vst.msk $0xffff, v0;
	s11 =	sadd.s32 s11, s14;
	s31 =	sor.u32 $0x400, s15  }
0x18: {  	[hbm4b:s11+s31] =	stream.strided.scatter [tilespmem:s12], [sflag:$0x2], $0x1000, s8, s31, $0x20;
	[tilespmem:$0x4040] =	vst v63  }
.LBB1_5:
0x19: {  	s13 =	sadd.s32 $0x1000, s9  }
0x1a: {  	p2 =	sgt.s32 s13, $0xC7FFF  }
0x1b: {  	s13 =	smov.u32 @p2 s3;
	p2 =	sne.s32 s10, s7  }
.Ltmp1:
0x1c: {  	p1 =	slt.u32 s10, $0x2;
	(pc) =	sbr.rel @!p2 .LBB1_6-.Ltmp1, $4  }
0x1d: {  	s12 =	simm.s32 @!p1 $0x2  }
0x1e: {  	s14 =	sadd.s32 $0x1, s10;
	_ =	swait.ge @!p1 [sflag:s12], $0x1000  }
0x1f: {  	s11 =	smov.u32 s9;
	p0 =	por !p0, !p0;
	[sflag:s12] =	ssyncset.done @!p1 $0x0  }
0x20: {  	s10 =	smov.u32 s14;
	s9 =	smov.u32 s13;
	[sflag:s12] =	ssyncadd.s32 @!p1 $0xFFFFF000  }
.LBB1_1:
0x21: {  	p1 =	sge.u32 s10, s6  }
0x22: {  	s12 =	sand.u32 @!p1 $0x1FFFFFF, s9  }
0x23: {  	s13 =	smulhi.u32 @!p1 $0x147AE15, s12;
	_ =	sdelay $0x1  }
0x24: {  	s13 =	sshrl.u32 @!p1 s13, $0xC  }
0x25: {  	s13 =	smul.u32 @!p1 $0xC8000, s13;
	_ =	sdelay $0x1  }
0x26: {  	s31 =	sadd.s32 $0xFFFFFFFF, s10;
	s14 =	sxor.u32 @!p1 $0xFFFFFFFF, s10;
	s12 =	ssub.s32 @!p1 s12, s13  }
0x27: {  	s15 =	simm.s32 @!p1 $0x80;
	s14 =	sshll.u32 @!p1 s14, $0xC;
	s12 =	sshll.u32 @!p1 s12, $0x4  }
0x28: {  	s13 =	sand.u32 @!p1 $0x1000, s14;
	s14 =	simm.s32 @!p1 $0x20;
	s12 =	sadd.s32 @!p1 s4, s12  }
0x29: {  	[tilespmem:s13], [sflag:$0x1] =	stream.strided.gather @!p1 [hbm4b:s12+s14], $0x1000, s15, s14, $0x38;
	[tilespmem:$0x4040] =	vst v63  }
0x2a: {  	p1 =	sge.u32 s31, s6  }
.Ltmp2:
0x2b: {  	_ = 	snop;
	(pc) =	sbr.rel @p1 .LBB1_5-.Ltmp2, $1  }
0x2c: {  	_ =	sdelay $0x3  }
0x2d: {  	s12 =	simm.s32 $0x1  }
0x2e: {  	_ =	swait.ge [sflag:s5], $0x1000;
	s12 =	simm.s32 @!p0 $0x0  }
0x2f: {  	[sflag:s5] =	ssyncset.done $0x0;
	s13 =	sshll.u32 s12, $0xC  }
0x30: {  	[sflag:s5] =	ssyncadd.s32 $0xFFFFF000;
	s16 =	sor.u32 $0x10, s13  }
0x31: {  	s12 =	smul.u32 $0x4080, s12;
	v1 =	vld [tilespmem:s16+$0x0]  }
0x32: {  	s30 =	sand.u32 $0x1, s10;
	v0 =	vld [tilespmem:s16+$0xFFFFFFF0]  }
0x33: {  	s13 =	smul.u32 $0x4080, s30;
	s12 =	sshrl.u32 s12, $0x2  }
0x34: {  	s14 =	sor.u32 $0x2000, s12  }
0x35: {  	s31 =	sshrl.u32 s13, $0x2;
	s13 =	sadd.s32 $0x0, s14  }
0x36: {  	s15 =	simm.s32 $0x4;
	s16 =	sadd.s32 $0x20, s16;
	s12 =	sor.u32 $0x2000, s31;
	[tilespmem:s13+$0x810 ss:$0x81] =	vst.msk $0xffff, v1  }
.LBB1_3:
0x37: {  	v1 =	vld [tilespmem:s16+$0x0];
	p1 =	sne.s32 s15, $0x1FC;
	[tilespmem:s13+$0x0 ss:$0x81] =	vst.msk $0xffff, v0;
	s13 =	smov.u32 s15;
	s15 =	sadd.s32 $0x4, s15  }
.Ltmp3:
0x38: {  	v0 =	vld [tilespmem:s16+$0xFFFFFFF0];
	(pc) =	sbr.rel @p1 .LBB1_3-.Ltmp3, $4  }
0x39: {  	_ = 	snop  }
0x3a: {  	s13 =	sshra.s32 s13, $0x2  }
0x3b: {  	s13 =	sadd.s32 s13, s14  }
0x3c: {  	s16 =	sadd.s32 $0x20, s16;
	[tilespmem:s13+$0x810 ss:$0x81] =	vst.msk $0xffff, v1  }
.Ltmp4:
0x3d: {  	_ = 	snop;
	(pc) =	sbr.rel .LBB1_4-.Ltmp4, $1  }
0x3e: {  	_ =	sdelay $0x3  }
.LBB1_6:
0x3f: {  	_ =	sfence.sel $0x180000  }
0x40: {  	s2 =	simm.s32 $0x1;
	[bflag:$0x0] =	sbarrier.arrive $0xFFFF  }
0x41: {  	s31 =	simm.s32 $0x2;
	[sflag:s2] =	ssyncpa.u1 $0x1  }
0x42: {  	[sflag:s31] =	ssyncpa.u1 $0x1  }
0x43: {  	p0 =	sne.s32 s0, $0x0;
	_ =	strace $0x9000004A  }
0x44: {  	s0 =	sadd.s32 @!p0 $0x100000, s1;
	[bflag:$0x2] =	sbarrier.arrive $0xFFFF  }
0x45: {  	[sflag:s0] =	ssyncadd.tile.s32 @!p0 $0x1;
	_ =	shalt  }
.Lfunc_end1:
_tile_overlayer_lowered:
.L_overlay_start_2:
0x46: {  	(tag) =	ssettag $0x2  }
0x47: {  	s0 =	rddreg [dreg:$0x0];
	s2 =	stileid.u32  }
0x48: {  	s1 =	rddreg [dreg:$0x1];
	p0 =	sne.s32 s2, $0x0  }
0x49: {  	s3 =	rddreg [dreg:$0x2];
	[bflag:$0x3] =	sbarrier.arrive $0xFFFF;
	s2 =	simm.s32 @!p0 $0x1C01  }
0x4a: {  	[timem:s3], [sflag:s2] =	dma.local @!p0 [hbm:s0], s1  }
0x4b: {  	s0 =	simm.s32 @!p0 $0x1  }
0x4c: {  	_ =	swait.ge @!p0 [sflag:s0], s1  }
0x4d: {  	s1 =	ssub.s32 @!p0 $0x0, s1;
	[sflag:s0] =	ssyncset.done @!p0 $0x0  }
0x4e: {  	[sflag:s0] =	ssyncadd.s32 @!p0 s1  }
0x4f: {  	[bflag:$0x3] =	sbarrier.arrive $0xFFFF  }
0x50: {  	_ =	shalt  }

// kernel: sparse-core-data-format-call.cloned.1.call-start
scs
called_computation_lowered:
.L_overlay_start_0:
0x0: {  	s2 =	sld [smem:$0x3FD9]  }
0x1: {  	s3 =	sld [smem:$0x3FFE];
	_ =	sdelay $0x1  }
0x2: {  	s1 =	srdreg.scid  }
0x3: {  	s0 =	sand.u32 $0x1, s1  }
0x4: {  	s18 =	sshll.u32 s0, $0xA;
	s2 =	sadd.s32 s3, s2  }
0x5: {  	s2 =	sadd.s32 s2, s18  }
0x6: {  	[smem:$0x3FC6] =	sst s2  }
0x7: {  	_ = 	snop  }
0x8: {  	s2 =	sld [smem:$0x3FD0];
	(tm) =	ssettm $0x1  }
0x9: {  	s19 =	sld [smem:$0x3FFB];
	_ =	sdelay $0x3  }
0xa: {  	_ =	strace s19  }
0xb: {  	s3 =	sld [smem:$0x3FFC];
	_ =	sdelay $0x3  }
0xc: {  	_ =	strace s3  }
0xd: {  	s3 =	sld [smem:$0x3FFD];
	_ =	sdelay $0x3  }
0xe: {  	_ =	strace s3  }
0xf: {  	_ =	strace $0x8FFFFFFF  }
0x10: {  	s20 =	sld [smem:$0x3FDB];
	_ =	sdelay $0x1  }
0x11: {  	s4 =	simm.s32 $_scs_section_size  }
0x12: {  	s5 =	simm.s32 $_size__tile_overlayer_lowered;
	s6 =	simm.s32 $_tile_overlayer_lowered  }
0x13: {  	s23 =	simm.s32 $0x1BFF;
	s22 =	sshll.u32 s6, $0x1;
	s3 =	sadd.s32 s4, s20  }
0x14: {  	s7 =	simm.s32 $0x0;
	s21 =	sshll.u32 s5, $0x1;
	s5 =	sadd.s32 s22, s3  }
0x15: {  	[timem:s7], [sflag:s23] =	dma.local [hbm:s5], s21  }
0x16: {  	_ =	swait.ge [sflag:s23], s21  }
0x17: {  	s4 =	ssub.s32 $0x0, s21;
	[sflag:s23] =	ssyncset.done $0x0  }
0x18: {  	[sflag:s23] =	ssyncadd.s32 s4;
	_ =	sdelay $0x1  }
0x19: {  	s24 =	simm.s32 $0x1B8B  }
0x1a: {  	_ =	swait.ge [sflag:s24], $0x1  }
0x1b: {  	[sflag:s24] =	ssyncset.done $0x0  }
0x1c: {  	s26 =	simm.s32 $0x1B8E;
	s25 =	sld [smem:$0x3FFE];
	[sflag:s24] =	ssyncadd.s32 $0xFFFFFFFF  }
0x1d: {  	s27 =	simm.s32 $execute0_lowered;
	[smem:$0x3FD2] =	sst s26  }
0x1e: {  	s5 =	sshll.u32 s27, $0x1;
	_ =	strace $0x8000004C;
	[dreg:$0x1] =	wrdreg $0xFFFFFFFF  }
0x1f: {  	s28 =	simm.s32 $_size_execute0_lowered;
	s3 =	sadd.s32 s3, s5;
	[dreg:$0x0] =	wrdreg $0x0  }
0x20: {  	s5 =	sshll.u32 s28, $0x1;
	[dreg:$0x2] =	wrdreg s3  }
0x21: {  	[dreg:$0x3] =	wrdreg s5  }
0x22: {  	[dreg:$0x4] =	wrdreg $0xC0  }
0x23: {  	_ =	task [dreg:s7], $0x5FFFF  }
0x24: {  	[dreg:$0x1] =	wrdreg $0xFFFFFFFF  }
0x25: {  	[dreg:$0x0] =	wrdreg $0x60  }
0x26: {  	[dreg:$0x2] =	wrdreg s25  }
0x27: {  	[dreg:$0x3] =	wrdreg s2  }
0x28: {  	[dreg:$0x4] =	wrdreg $0x9  }
0x29: {  	_ =	task.clear_ibuf [dreg:s7], $0x5FFFF;
	_ =	strace $0x9000004C  }
0x2a: {  	s29 =	simm.s32 $0x9;
	_ =	strace $0x8000004E  }
0x2b: {  	_ =	swait.ge [sflag:s29], $0x1  }
0x2c: {  	[sflag:s29] =	ssyncadd.s32 $0xFFFFFFFF  }
0x2d: {  	_ =	strace $0x9000004E  }
0x2e: {  	_ =	sfence  }
0x2f: {  	s30 =	sld [smem:$0x0];
	_ =	sdelay $0x2  }
0x30: {  	s31 =	sshll.u32 s1, $0xD;
	s1 =	sshrl.u32 s1, $0x2  }
0x31: {  	s3 =	sand.u32 $0x4000, s31;
	s1 =	sadd.s32 s1, s30  }
0x32: {  	s0 =	sor.u32 s3, s0;
	s1 =	sshll.u32 s1, $0x11  }
0x33: {  	s0 =	sor.u32 s1, s0  }
0x34: {  	s0 =	sadd.s32 $0x8F2B, s0  }
0x35: {  	[sflag:s0] =	ssyncadd.remote.s32 $0x1  }
0x36: {  	_ =	sfence.sel $0xFFFF  }
0x37: {  	[dreg:$0x0] =	wrdreg $0xFFFFFFFF;
	(pc) =	sbr.abs _section_cstart, $3  }
0x38: {  	[dreg:$0x1] =	wrdreg $0xFFFFFFFF  }
0x39: {  	_ =	task.clear_ibuf [dreg:s7], $0x2FFFF;
	_ =	strace $0x9FFFFFFF  }
0x3a: {  	(tm) =	ssettm $0x7FFFFFFF  }
0x3b: {  	_ =	shalt  }
tec
execute0_lowered:
.L_overlay_start_1:
0x0: {  	(tag) =	ssettag $0x1  }
0x1: {  	s8 =	rddreg [dreg:$0x0]  }
0x2: {  	s2 =	rddreg [dreg:$0x1];
	s1 =	stileid.u32  }
0x3: {  	s4 =	srdreg.scid;
	s0 =	rddreg [dreg:$0x2];
	_ =	strace $0x8000004D  }
0x4: {  	s9 =	simm.s32 $0x1;
	s31 =	simm.s32 $0x2;
	s16 =	simm.s32 $0x0  }
0x5: {  	s17 =	simm.s32 $0x0;
	s11 =	simm.s32 $0x0;
	s12 =	simm.s32 $0x0  }
0x6: {  	s15 =	simm.s32 $0x0;
	s3 =	sshll.u32 s1, $0x1;
	s4 =	sshll.u32 s4, $0x7  }
0x7: {  	s4 =	sand.u32 $0x80, s4;
	s5 =	ssub.s32 $0x20, s3;
	s14 =	smov.u32 s3  }
0x8: {  	s6 =	sshrl.u32 s5, $0x5;
	s5 =	sand.u32 $0x1E, s5;
	s7 =	ssub.s32 $0x4000, s4  }
0x9: {  	p0 =	sne.s32 s5, $0x0;
	s30 =	sshrl.u32 s7, $0x7;
	s7 =	sshrl.u32 s7, $0x8  }
.Ltmp0:
0xa: {  	s9 =	simm.s32 @!p0 $0x0;
	s10 =	sand.u32 $0x1, s30;
	(pc) =	sbr.rel .LBB1_1-.Ltmp0, $4  }
0xb: {  	s5 =	simm.s32 $0x1;
	s6 =	sadd.s32 s9, s6;
	s7 =	sadd.s32 s7, s10  }
0xc: {  	s13 =	smov.u32 s4;
	[sflag:s5] =	ssyncpa.u1 $0x0;
	s6 =	smul.u32 s6, s7  }
0xd: {  	p0 =	por $0x0, $0x0;
	[sflag:s31] =	ssyncpa.u1 $0x0;
	s10 =	simm.s32 $0x80000  }
0xe: {  	s7 =	sadd.s32 $0xE00, s8;
	s8 =	sadd.s32 $0x40E00, s8;
	s9 =	sadd.s32 $0x1, s6  }
.LBB1_7:
0xf: {  	p1 =	slt.u32 s15, $0x2  }
0x10: {  	s19 =	smov.u32 s17;
	p2 =	sgt.s32 @!p1 s17, $0x1E;
	s18 =	sshra.s32 @!p1 s17, $0x1F  }
0x11: {  	p3 =	sgt.s32 @!p1 s16, $0x3F80;
	s20 =	sshra.s32 @!p1 s16, $0x1F;
	p2 =	por !p2, p1  }
0x12: {  	s17 =	sand.u32 @!p1 s18, s17;
	p3 =	por !p3, p1;
	s18 =	smov.u32 s16  }
0x13: {  	s16 =	sand.u32 @!p1 s20, s16;
	s19 =	simm.s32 @p2 $0x1E;
	s18 =	simm.s32 @p3 $0x3F80  }
0x14: {  	s20 =	smov.u32 s14;
	s17 =	ssub.s32 @!p1 s19, s17;
	s16 =	ssub.s32 @!p1 s18, s16  }
0x15: {  	s18 =	sadd.s32 @!p1 $0xFFFFFFE2, s17;
	s17 =	ssub.s32 @!p1 $0x20, s17;
	s19 =	sadd.s32 @!p1 $0xFFFFC080, s16  }
0x16: {  	p2 =	sgt.s32 @!p1 s18, $0x1;
	s17 =	smul.u32 @!p1 $0x32, s17;
	p3 =	sgt.s32 @!p1 s19, $0x7F  }
0x17: {  	s16 =	ssub.s32 @!p1 $0x4000, s16;
	p2 =	por !p2, p1;
	p3 =	por !p3, p1  }
0x18: {  	s18 =	sadd.s32 $0x100, s13;
	s17 =	simm.s32 @!p2 $0x0;
	s16 =	simm.s32 @!p3 $0x0  }
0x19: {  	p2 =	sgt.s32 s18, $0x3FFF;
	s16 =	smul.u32 @!p1 s16, s17;
	s17 =	sadd.s32 $0x20, s14  }
0x1a: {  	s20 =	smov.u32 @p2 s17  }
0x1b: {  	s18 =	smov.u32 @p2 s4;
	p2 =	sgt.s32 s20, $0x1F  }
0x1c: {  	s20 =	smov.u32 @p2 s3;
	p2 =	sne.s32 s15, s9  }
.Ltmp1:
0x1d: {  	p0 =	por !p0, !p0;
	s19 =	simm.s32 @!p1 $0x2;
	(pc) =	sbr.rel @!p2 .LBB1_8-.Ltmp1, $4  }
0x1e: {  	s17 =	smov.u32 s12;
	s12 =	smov.u32 s14;
	s16 =	sand.u32 @!p1 $0x3FFFFFFE, s16  }
0x1f: {  	_ =	swait.ge @!p1 [sflag:s19], s16;
	s21 =	ssub.s32 @!p1 $0x0, s16;
	s16 =	smov.u32 s11  }
0x20: {  	s15 =	sadd.s32 $0x1, s15;
	s11 =	smov.u32 s13;
	[sflag:s19] =	ssyncset.done @!p1 $0x0  }
0x21: {  	s13 =	smov.u32 s18;
	s14 =	smov.u32 s20;
	[sflag:s19] =	ssyncadd.s32 @!p1 s21  }
.LBB1_1:
0x22: {  	p1 =	sge.u32 s15, s6  }
0x23: {  	s18 =	sxor.u32 @!p1 $0xFFFFFFFF, s15;
	s19 =	sshll.u32 @!p1 s14, $0x12  }
0x24: {  	s20 =	sshll.u32 @!p1 s13, $0x4;
	s22 =	simm.s32 @!p1 $0x40;
	s23 =	simm.s32 @!p1 $0x80  }
0x25: {  	s18 =	sshll.u32 @!p1 s18, $0xE;
	s20 =	sand.u32 @!p1 $0x3FFF0, s20;
	s21 =	sadd.s32 @!p1 s7, s19  }
0x26: {  	s19 =	sadd.s32 @!p1 s19, s8;
	s18 =	sand.u32 @!p1 $0x4000, s18;
	s21 =	sadd.s32 @!p1 s20, s21  }
0x27: {  	[tilespmem:s18], [sflag:$0x1] =	stream.strided.gather @!p1 [hbm4b:s21+s22], $0x2000, s23, s22, $0x38;
	[tilespmem:$0x10100] =	vst v63  }
0x28: {  	s31 =	sadd.s32 $0xFFFFFFFF, s15;
	s19 =	sadd.s32 @!p1 s20, s19;
	s18 =	sor.u32 @!p1 $0x2000, s18  }
0x29: {  	[tilespmem:s18], [sflag:$0x1] =	stream.strided.gather @!p1 [hbm4b:s19+s22], $0x2000, s23, s22, $0x38;
	[tilespmem:$0x10100] =	vst v63  }
0x2a: {  	p1 =	sge.u32 s31, s6  }
.Ltmp2:
0x2b: {  	_ = 	snop;
	(pc) =	sbr.rel @p1 .LBB1_7-.Ltmp2, $1  }
0x2c: {  	_ =	sdelay $0x3  }
0x2d: {  	s18 =	simm.s32 $0x1;
	s20 =	sand.u32 $0x1, s15  }
0x2e: {  	_ =	swait.ge [sflag:s5], $0x4000;
	s18 =	simm.s32 @!p0 $0x0;
	s20 =	smul.u32 $0x10200, s20  }
0x2f: {  	p2 =	por $0x1, $0x1;
	[sflag:s5] =	ssyncset.done $0x0;
	s19 =	smul.u32 $0x10200, s18  }
0x30: {  	s21 =	sshll.u32 s18, $0x10;
	[sflag:s5] =	ssyncadd.s32 $0xFFFFC000;
	s30 =	sshrl.u32 s20, $0x2  }
0x31: {  	s31 =	sshrl.u32 s21, $0x2;
	s21 =	simm.s32 $0x0;
	s19 =	sshrl.u32 s19, $0x2  }
0x32: {  	s18 =	sor.u32 $0x8000, s30;
	s20 =	sadd.s32 $0x20, s31;
	s19 =	sor.u32 $0x8000, s19  }
.LBB1_3:
0x33: {  	s22 =	sshll.u32 s21, $0xD  }
0x34: {  	s22 =	sand.u32 $0x3FFFE000, s22  }
0x35: {  	s24 =	sadd.s32 s22, s20  }
0x36: {  	s31 =	smul.u32 $0x204, s21;
	v3 =	vld [tilespmem:s24+$0x10]  }
0x37: {  	v1 =	vld [tilespmem:s24+$0xFFFFFFF0]  }
0x38: {  	s21 =	sshra.s32 s31, $0x2;
	v0 =	vld [tilespmem:s24+$0x0]  }
0x39: {  	s21 =	sadd.s32 s21, s19;
	v2 =	vld [tilespmem:s24+$0xFFFFFFE0]  }
0x3a: {  	s22 =	sadd.s32 $0x0, s21  }
0x3b: {  	p1 =	por p2, p2;
	s23 =	simm.s32 $0x4;
	s24 =	sadd.s32 $0x40, s24;
	[tilespmem:s22+$0x3060 ss:$0x102] =	vst.msk $0xffff, v3  }
.LBB1_4:
0x3c: {  	v3 =	vld [tilespmem:s24+$0x10];
	p2 =	sne.s32 s23, $0x1FC;
	[tilespmem:s22+$0x1020 ss:$0x102] =	vst.msk $0xffff, v1;
	s25 =	smov.u32 s23;
	s23 =	sadd.s32 $0x4, s23  }
.Ltmp3:
0x3d: {  	v1 =	vld [tilespmem:s24+$0xFFFFFFF0];
	[tilespmem:s22+$0x2040 ss:$0x102] =	vst.msk $0xffff, v0;
	(pc) =	sbr.rel @p2 .LBB1_4-.Ltmp3, $4  }
0x3e: {  	v0 =	vld [tilespmem:s24+$0x0];
	[tilespmem:s22+$0x0 ss:$0x102] =	vst.msk $0xffff, v2  }
0x3f: {  	s22 =	sshra.s32 s25, $0x2;
	v2 =	vld [tilespmem:s24+$0xFFFFFFE0]  }
0x40: {  	s22 =	sadd.s32 s22, s21  }
0x41: {  	s24 =	sadd.s32 $0x40, s24;
	[tilespmem:s22+$0x3060 ss:$0x102] =	vst.msk $0xffff, v3  }
.Ltmp4:
0x42: {  	(pc) =	sbr.rel @p1 .LBB1_3-.Ltmp4, $4  }
0x43: {  	_ = 	snop  }
0x44: {  	[tilespmem:s22+$0x1020 ss:$0x102] =	vst.msk $0xffff, v1  }
0x45: {  	[tilespmem:s22+$0x2040 ss:$0x102] =	vst.msk $0xffff, v0  }
0x46: {  	s21 =	simm.s32 $0x1;
	p2 =	por $0x0, $0x0;
	[tilespmem:s22+$0x0 ss:$0x102] =	vst.msk $0xffff, v2  }
0x47: {  	s19 =	sand.u32 $0x78, s11;
	p1 =	sgt.s32 s12, $0x1E;
	s20 =	smov.u32 s12  }
0x48: {  	s21 =	sshra.s32 s12, $0x1F;
	s22 =	sshll.u32 s12, $0xE;
	s23 =	sshll.u32 s11, $0x3  }
0x49: {  	s30 =	sshra.s32 s11, $0x1F;
	s25 =	sshll.u32 s12, $0x7;
	s20 =	simm.s32 @!p1 $0x1E  }
0x4a: {  	s21 =	sand.u32 s21, s12;
	s22 =	sand.u32 $0x60000, s22;
	p1 =	sgt.s32 s11, $0x3F80  }
0x4b: {  	s25 =	sand.u32 $0x380, s25;
	s20 =	ssub.s32 s20, s21;
	s21 =	smov.u32 s11  }
0x4c: {  	s22 =	sadd.s32 s22, s23;
	s24 =	sadd.s32 $0xFFFFFFE2, s20;
	s21 =	simm.s32 @!p1 $0x3F80  }
0x4d: {  	s20 =	ssub.s32 $0x20, s20;
	p1 =	sgt.s32 s24, $0x1;
	s24 =	sand.u32 s30, s11  }
0x4e: {  	s23 =	sand.u32 $0x3C00, s23;
	s20 =	smul.u32 $0x32, s20;
	s21 =	ssub.s32 s21, s24  }
0x4f: {  	s19 =	sor.u32 s25, s19;
	s22 =	sand.u32 $0x7C000, s22;
	s24 =	sadd.s32 $0xFFFFC080, s21  }
0x50: {  	s20 =	simm.s32 @p1 $0x0;
	s21 =	ssub.s32 $0x4000, s21;
	p1 =	sgt.s32 s24, $0x7F  }
.Ltmp5:
0x51: {  	s19 =	sor.u32 s23, s19;
	s21 =	simm.s32 @p1 $0x0;
	(pc) =	sbr.rel .LBB1_7-.Ltmp5, $4  }
0x52: {  	s31 =	sand.u32 $0x7, s11;
	s19 =	sor.u32 s22, s19;
	s20 =	smul.u32 s21, s20  }
0x53: {  	s19 =	sshrl.u32 s19, $0x3;
	s21 =	sshll.u32 s31, $0x12  }
0x54: {  	s19 =	sadd.s32 s2, s19;
	s21 =	sor.u32 $0x100, s21;
	s20 =	sand.u32 $0x3FFFFFFE, s20  }
0x55: {  	[hbm4b:s19+s21] =	stream.strided.scatter [tilespmem:s18], [sflag:$0x2], s20, s10, s21, $0x20;
	[tilespmem:$0x10100] =	vst v63  }
.LBB1_8:
0x56: {  	_ =	sfence.sel $0x180000  }
0x57: {  	s2 =	simm.s32 $0x1;
	[bflag:$0x0] =	sbarrier.arrive $0xFFFF  }
0x58: {  	s31 =	simm.s32 $0x2;
	[sflag:s2] =	ssyncpa.u1 $0x1  }
0x59: {  	[sflag:s31] =	ssyncpa.u1 $0x1  }
0x5a: {  	p0 =	sne.s32 s1, $0x0;
	_ =	strace $0x9000004D  }
0x5b: {  	s0 =	sadd.s32 @!p0 $0x100000, s0;
	[bflag:$0x2] =	sbarrier.arrive $0xFFFF  }
0x5c: {  	[sflag:s0] =	ssyncadd.tile.s32 @!p0 $0x1;
	_ =	shalt  }
.Lfunc_end1:
_tile_overlayer_lowered:
.L_overlay_start_2:
0x5d: {  	(tag) =	ssettag $0x2  }
0x5e: {  	s0 =	rddreg [dreg:$0x0];
	s2 =	stileid.u32  }
0x5f: {  	s1 =	rddreg [dreg:$0x1];
	p0 =	sne.s32 s2, $0x0  }
0x60: {  	s3 =	rddreg [dreg:$0x2];
	[bflag:$0x3] =	sbarrier.arrive $0xFFFF;
	s2 =	simm.s32 @!p0 $0x1C01  }
0x61: {  	[timem:s3], [sflag:s2] =	dma.local @!p0 [hbm:s0], s1  }
0x62: {  	s0 =	simm.s32 @!p0 $0x1  }
0x63: {  	_ =	swait.ge @!p0 [sflag:s0], s1  }
0x64: {  	s1 =	ssub.s32 @!p0 $0x0, s1;
	[sflag:s0] =	ssyncset.done @!p0 $0x0  }
0x65: {  	[sflag:s0] =	ssyncadd.s32 @!p0 s1  }
0x66: {  	[bflag:$0x3] =	sbarrier.arrive $0xFFFF  }
0x67: {  	_ =	shalt  }

</sc_bundles>
